<compile_context>
chip_gen: v7x
topology: tpu7x:2x2x1
jax: 0.10.2.dev20260603
libtpu: 0.0.44.dev20260713+nightly
codegen_flags: <defaults>
</compile_context>

<pallas_src>
import jax
import jax.numpy as jnp
from jax import lax
from jax.experimental import pallas as pl
from jax.experimental.pallas import tpu as pltpu
from jax.experimental.pallas import tpu_sc as plsc

BATCH = 4096
NUM_FIELDS = 26
EMBED_DIM = 16
FIELD_SIZE = 40000
NUM_ROWS = FIELD_SIZE * NUM_FIELDS
NUM_WORKERS = 32
B_PER_W = BATCH // NUM_WORKERS
X_PER_W = B_PER_W * NUM_FIELDS
LANES = 16
HALF = NUM_ROWS * 8
ROWS_PER_W = NUM_FIELDS * 2 * 8
OUT_PER_W = ROWS_PER_W * 128
F_STRIDE = EMBED_DIM * BATCH
RB_STRIDE = 8 * BATCH


def _emb_body(x_hbm, tab_hbm, out_hbm, x_v, idx_v, out_v, sem, sem2):
    nc = 2
    wid = lax.axis_index("s") * nc + lax.axis_index("c")

    pltpu.sync_copy(x_hbm.at[pl.ds(wid * X_PER_W, X_PER_W)], x_v)

    iota = lax.broadcasted_iota(jnp.int32, (LANES,), 0)

    def per_field(f, carry):
        foff = f * FIELD_SIZE
        for q in range(B_PER_W // LANES):
            lanes = q * LANES + iota
            xv = plsc.load_gather(x_v, [lanes * NUM_FIELDS + f])
            idx = xv + foff
            base = (
                lax.shift_right_logical(idx, 7) * 1024
                + lax.bitwise_and(idx, 127)
            )
            for rb in range(2):
                for d8 in range(8):
                    row = f * 16 + rb * 8 + d8
                    idx_v[row, pl.ds(q * LANES, LANES)] = (
                        base + (rb * HALF + d8 * 128)
                    )
        for r in range(16):
            row = f * 16 + r
            pltpu.make_async_copy(
                tab_hbm.at[idx_v.at[row]],
                out_v.at[pl.ds(row * 128, 128)],
                sem,
            ).start()
        return carry

    lax.fori_loop(0, NUM_FIELDS, per_field, None)

    pltpu.make_async_copy(
        tab_hbm.at[pl.ds(0, OUT_PER_W)], out_v, sem
    ).wait()

    def store_field(f, carry):
        for rb in range(2):
            pltpu.make_async_copy(
                out_v.at[pl.ds((f * 2 + rb) * 1024, 1024)],
                out_hbm.at[
                    pl.ds(f * F_STRIDE + rb * RB_STRIDE + wid * 1024, 1024)
                ],
                sem2,
            ).start()
        return carry

    lax.fori_loop(0, NUM_FIELDS, store_field, None)
    pltpu.make_async_copy(out_v, out_hbm.at[pl.ds(0, OUT_PER_W)], sem2).wait()


@jax.jit
def kernel(x, table):
    x_flat = x.reshape(-1)
    tab_flat = (
        table.T.reshape(2, 8, NUM_ROWS // 128, 128)
        .transpose(0, 2, 1, 3)
        .reshape(-1)
    )
    mesh = plsc.VectorSubcoreMesh(core_axis_name="c", subcore_axis_name="s")
    out_flat = pl.kernel(
        _emb_body,
        out_type=jax.ShapeDtypeStruct((BATCH * EMBED_DIM * NUM_FIELDS,), jnp.float32),
        mesh=mesh,
        compiler_params=pltpu.CompilerParams(
            needs_layout_passes=False, use_tc_tiling_on_sc=False
        ),
        scratch_types=[
            pltpu.VMEM((X_PER_W,), jnp.int32),
            pltpu.VMEM((ROWS_PER_W, 128), jnp.int32),
            pltpu.VMEM((OUT_PER_W,), jnp.float32),
            pltpu.SemaphoreType.DMA,
            pltpu.SemaphoreType.DMA,
        ],
    )(x_flat, tab_flat)
    return (
        out_flat.reshape(NUM_FIELDS, 2, NUM_WORKERS, 8, 128)
        .transpose(0, 1, 3, 2, 4)
        .reshape(NUM_FIELDS, EMBED_DIM, BATCH)
        .transpose(2, 1, 0)
    )

# --- scband reference (transcript-rebuilt; emitter-appended) ---
"""Pipeline reference for scband-emb-71777493450767 (READ-ONLY COPY).

The authoritative reference and input builder live on the scoring server;
editing this copy changes nothing except your own understanding.
"""

import jax, jax.numpy as jnp
import numpy as np

FIELD_DIMS = [40000] * 26
EMBED_DIM = 16
BATCH = 4096


def setup_inputs(seed: int = 0) -> dict:
    key = jax.random.key(seed)
    k1, k2 = jax.random.split(key)
    x = jax.random.randint(k1, (BATCH, len(FIELD_DIMS)), 0, FIELD_DIMS[0])
    num_emb = int(sum(FIELD_DIMS))
    # xavier_uniform for (num_emb, EMBED_DIM)
    bound = float(np.sqrt(6.0 / (num_emb + EMBED_DIM)))
    table = jax.random.uniform(k2, (num_emb, EMBED_DIM), minval=-bound, maxval=bound, dtype=jnp.float32)
    return {"x": x, "table": table}


def reference(x, table):
    offsets = jnp.asarray(np.array((0, *np.cumsum(FIELD_DIMS)[:-1]), dtype=np.int64), dtype=x.dtype)
    idx = x + offsets[None, :]
    emb = jnp.take(table, idx, axis=0)  # (batch, num_fields, embed_dim)
    return jnp.transpose(emb, (0, 2, 1))  # (batch, embed_dim, num_fields)

if __name__ == "__main__":
    import jax
    _d = setup_inputs()
    print(jax.jit(kernel)(*tuple(_d.values())))

</pallas_src>

<mosaic_0001>
#map = affine_map<(d0, d1) -> (0)>
module attributes {stable_mosaic.version = 14 : i64} {
  func.func @_emb_body(%arg0: i32, %arg1: i32, %arg2: memref<106496xi32, #tpu.memory_space<hbm>>, %arg3: memref<16640000xf32, #tpu.memory_space<hbm>>, %arg4: memref<1703936xf32, #tpu.memory_space<hbm>>, %arg5: memref<3328xi32, #tpu.memory_space<vmem>>, %arg6: memref<416x128xi32, #tpu.memory_space<vmem>>, %arg7: memref<53248xf32, #tpu.memory_space<vmem>>, %arg8: memref<!tpu.dma_semaphore, #tpu.memory_space<semaphore_mem>>, %arg9: memref<!tpu.dma_semaphore, #tpu.memory_space<semaphore_mem>>) attributes {dimension_semantics = [#tpu.dimension_semantics<core_parallel>, #tpu.dimension_semantics<subcore_parallel>], iteration_bounds = array<i64: 2, 16>, scalar_prefetch = 0 : i64, scratch_operands = 5 : i64, tpu.core_type = #tpu.core_type<sc_vector_subcore>, window_params = [{transform_indices = #map}, {transform_indices = #map}, {transform_indices = #map}]} {
    %mul3A = arith.constant 2 : i32
    %mul3A_0 = arith.muli %arg1, %mul3A : i32
    %add3A = arith.addi %mul3A_0, %arg0 : i32
    %mul3A_1 = arith.constant 3328 : i32
    %mul3A_2 = arith.muli %add3A, %mul3A_1 : i32
    "tpu.region"() ({
      %run_scoped3A = tpu.sem_alloc : memref<!tpu.dma_semaphore, #tpu.memory_space<semaphore_mem>>
      %dma_start3A = tpu.memref_slice %arg2[%mul3A_2] : memref<106496xi32, #tpu.memory_space<hbm>> -> memref<3328xi32, #tpu.memory_space<hbm>>
      %dma_start3A_19 = tpu.memref_slice %arg2[%mul3A_2] : memref<106496xi32, #tpu.memory_space<hbm>> -> memref<3328xi32, #tpu.memory_space<hbm>>
      tpu.enqueue_dma source(%dma_start3A_19 : memref<3328xi32, #tpu.memory_space<hbm>>) target(%arg5 : memref<3328xi32, #tpu.memory_space<vmem>>) target_semaphore(%run_scoped3A : memref<!tpu.dma_semaphore, #tpu.memory_space<semaphore_mem>>)
      %dma_wait3A_20 = tpu.memref_slice %arg2[%mul3A_2] : memref<106496xi32, #tpu.memory_space<hbm>> -> memref<3328xi32, #tpu.memory_space<hbm>>
      %dma_wait3A_21 = tpu.memref_slice %arg2[%mul3A_2] : memref<106496xi32, #tpu.memory_space<hbm>> -> memref<3328xi32, #tpu.memory_space<hbm>>
      tpu.wait_dma2 semaphore(%run_scoped3A : memref<!tpu.dma_semaphore, #tpu.memory_space<semaphore_mem>>) src(%dma_wait3A_21 : memref<3328xi32, #tpu.memory_space<hbm>>) dst(%arg5 : memref<3328xi32, #tpu.memory_space<vmem>>)
      tpu.yield
    }) : () -> ()
    %iota3A = tpu.iota {dimensions = array<i32: 0>} : vector<16xi32>
    %scan3A = arith.constant 0 : i32
    %scan3A_3 = arith.constant 26 : i32
    %scan3A_4 = arith.addi %scan3A, %scan3A_3 : i32
    %scan3A_5 = arith.constant 1 : i32
    scf.for %scan3A_19 = %scan3A to %scan3A_4 step %scan3A_5  : i32 {
      %mul3A_20 = arith.constant 40000 : i32
      %mul3A_21 = arith.muli %scan3A_19, %mul3A_20 : i32
      %add3A_22 = arith.constant 0 : i32
      %add3A_23 = vector.broadcast %add3A_22 : i32 to vector<16xi32>
      %add3A_24 = arith.addi %add3A_23, %iota3A : vector<16xi32>
      %mul3A_25 = arith.constant 26 : i32
      %mul3A_26 = vector.broadcast %mul3A_25 : i32 to vector<16xi32>
      %mul3A_27 = arith.muli %add3A_24, %mul3A_26 : vector<16xi32>
      %add3A_28 = vector.broadcast %scan3A_19 : i32 to vector<16xi32>
      %add3A_29 = arith.addi %mul3A_27, %add3A_28 : vector<16xi32>
      %gather3A = tpu.vector_load_idx %arg5[%add3A_29] : memref<3328xi32, #tpu.memory_space<vmem>>[vector<16xi32>], vector<16xi32>,
      %add3A_30 = vector.broadcast %mul3A_21 : i32 to vector<16xi32>
      %add3A_31 = arith.addi %gather3A, %add3A_30 : vector<16xi32>
      %shift_right_logical3A = arith.constant 7 : i32
      %shift_right_logical3A_32 = vector.broadcast %shift_right_logical3A : i32 to vector<16xi32>
      %shift_right_logical3A_33 = arith.shrui %add3A_31, %shift_right_logical3A_32 : vector<16xi32>
      %mul3A_34 = arith.constant 1024 : i32
      %mul3A_35 = vector.broadcast %mul3A_34 : i32 to vector<16xi32>
      %mul3A_36 = arith.muli %shift_right_logical3A_33, %mul3A_35 : vector<16xi32>
      %and3A = arith.constant 127 : i32
      %and3A_37 = vector.broadcast %and3A : i32 to vector<16xi32>
      %and3A_38 = arith.andi %add3A_31, %and3A_37 : vector<16xi32>
      %add3A_39 = arith.addi %mul3A_36, %and3A_38 : vector<16xi32>
      %mul3A_40 = arith.constant 16 : i32
      %mul3A_41 = arith.muli %scan3A_19, %mul3A_40 : i32
      %add3A_42 = arith.constant 0 : i32
      %add3A_43 = arith.addi %mul3A_41, %add3A_42 : i32
      %add3A_44 = arith.constant 0 : i32
      %add3A_45 = arith.addi %add3A_43, %add3A_44 : i32
      %add3A_46 = arith.constant 0 : i32
      %add3A_47 = vector.broadcast %add3A_46 : i32 to vector<16xi32>
      %add3A_48 = arith.addi %add3A_39, %add3A_47 : vector<16xi32>
      %swap3A = arith.index_cast %add3A_45 : i32 to index
      %swap3A_49 = arith.constant 0 : index
      %swap3A_50 = tpu.vector_load %arg6[%swap3A, %swap3A_49] {strides = array<i32>} : memref<416x128xi32, #tpu.memory_space<vmem>>, vector<16xi32>,
      tpu.vector_store %arg6[%swap3A, %swap3A_49], %add3A_48 {strides = array<i32>} : memref<416x128xi32, #tpu.memory_space<vmem>>, vector<16xi32>,
      %mul3A_51 = arith.constant 16 : i32
      %mul3A_52 = arith.muli %scan3A_19, %mul3A_51 : i32
      %add3A_53 = arith.constant 0 : i32
      %add3A_54 = arith.addi %mul3A_52, %add3A_53 : i32
      %add3A_55 = arith.constant 1 : i32
      %add3A_56 = arith.addi %add3A_54, %add3A_55 : i32
      %add3A_57 = arith.constant 128 : i32
      %add3A_58 = vector.broadcast %add3A_57 : i32 to vector<16xi32>
      %add3A_59 = arith.addi %add3A_39, %add3A_58 : vector<16xi32>
      %swap3A_60 = arith.index_cast %add3A_56 : i32 to index
      %swap3A_61 = arith.constant 0 : index
      %swap3A_62 = tpu.vector_load %arg6[%swap3A_60, %swap3A_61] {strides = array<i32>} : memref<416x128xi32, #tpu.memory_space<vmem>>, vector<16xi32>,
      tpu.vector_store %arg6[%swap3A_60, %swap3A_61], %add3A_59 {strides = array<i32>} : memref<416x128xi32, #tpu.memory_space<vmem>>, vector<16xi32>,
      %mul3A_63 = arith.constant 16 : i32
      %mul3A_64 = arith.muli %scan3A_19, %mul3A_63 : i32
      %add3A_65 = arith.constant 0 : i32
      %add3A_66 = arith.addi %mul3A_64, %add3A_65 : i32
      %add3A_67 = arith.constant 2 : i32
      %add3A_68 = arith.addi %add3A_66, %add3A_67 : i32
      %add3A_69 = arith.constant 256 : i32
      %add3A_70 = vector.broadcast %add3A_69 : i32 to vector<16xi32>
      %add3A_71 = arith.addi %add3A_39, %add3A_70 : vector<16xi32>
      %swap3A_72 = arith.index_cast %add3A_68 : i32 to index
      %swap3A_73 = arith.constant 0 : index
      %swap3A_74 = tpu.vector_load %arg6[%swap3A_72, %swap3A_73] {strides = array<i32>} : memref<416x128xi32, #tpu.memory_space<vmem>>, vector<16xi32>,
      tpu.vector_store %arg6[%swap3A_72, %swap3A_73], %add3A_71 {strides = array<i32>} : memref<416x128xi32, #tpu.memory_space<vmem>>, vector<16xi32>,
      %mul3A_75 = arith.constant 16 : i32
      %mul3A_76 = arith.muli %scan3A_19, %mul3A_75 : i32
      %add3A_77 = arith.constant 0 : i32
      %add3A_78 = arith.addi %mul3A_76, %add3A_77 : i32
      %add3A_79 = arith.constant 3 : i32
      %add3A_80 = arith.addi %add3A_78, %add3A_79 : i32
      %add3A_81 = arith.constant 384 : i32
      %add3A_82 = vector.broadcast %add3A_81 : i32 to vector<16xi32>
      %add3A_83 = arith.addi %add3A_39, %add3A_82 : vector<16xi32>
      %swap3A_84 = arith.index_cast %add3A_80 : i32 to index
      %swap3A_85 = arith.constant 0 : index
      %swap3A_86 = tpu.vector_load %arg6[%swap3A_84, %swap3A_85] {strides = array<i32>} : memref<416x128xi32, #tpu.memory_space<vmem>>, vector<16xi32>,
      tpu.vector_store %arg6[%swap3A_84, %swap3A_85], %add3A_83 {strides = array<i32>} : memref<416x128xi32, #tpu.memory_space<vmem>>, vector<16xi32>,
      %mul3A_87 = arith.constant 16 : i32
      %mul3A_88 = arith.muli %scan3A_19, %mul3A_87 : i32
      %add3A_89 = arith.constant 0 : i32
      %add3A_90 = arith.addi %mul3A_88, %add3A_89 : i32
      %add3A_91 = arith.constant 4 : i32
      %add3A_92 = arith.addi %add3A_90, %add3A_91 : i32
      %add3A_93 = arith.constant 512 : i32
      %add3A_94 = vector.broadcast %add3A_93 : i32 to vector<16xi32>
      %add3A_95 = arith.addi %add3A_39, %add3A_94 : vector<16xi32>
      %swap3A_96 = arith.index_cast %add3A_92 : i32 to index
      %swap3A_97 = arith.constant 0 : index
      %swap3A_98 = tpu.vector_load %arg6[%swap3A_96, %swap3A_97] {strides = array<i32>} : memref<416x128xi32, #tpu.memory_space<vmem>>, vector<16xi32>,
      tpu.vector_store %arg6[%swap3A_96, %swap3A_97], %add3A_95 {strides = array<i32>} : memref<416x128xi32, #tpu.memory_space<vmem>>, vector<16xi32>,
      %mul3A_99 = arith.constant 16 : i32
      %mul3A_100 = arith.muli %scan3A_19, %mul3A_99 : i32
      %add3A_101 = arith.constant 0 : i32
      %add3A_102 = arith.addi %mul3A_100, %add3A_101 : i32
      %add3A_103 = arith.constant 5 : i32
      %add3A_104 = arith.addi %add3A_102, %add3A_103 : i32
      %add3A_105 = arith.constant 640 : i32
      %add3A_106 = vector.broadcast %add3A_105 : i32 to vector<16xi32>
      %add3A_107 = arith.addi %add3A_39, %add3A_106 : vector<16xi32>
      %swap3A_108 = arith.index_cast %add3A_104 : i32 to index
      %swap3A_109 = arith.constant 0 : index
      %swap3A_110 = tpu.vector_load %arg6[%swap3A_108, %swap3A_109] {strides = array<i32>} : memref<416x128xi32, #tpu.memory_space<vmem>>, vector<16xi32>,
      tpu.vector_store %arg6[%swap3A_108, %swap3A_109], %add3A_107 {strides = array<i32>} : memref<416x128xi32, #tpu.memory_space<vmem>>, vector<16xi32>,
      %mul3A_111 = arith.constant 16 : i32
      %mul3A_112 = arith.muli %scan3A_19, %mul3A_111 : i32
      %add3A_113 = arith.constant 0 : i32
      %add3A_114 = arith.addi %mul3A_112, %add3A_113 : i32
      %add3A_115 = arith.constant 6 : i32
      %add3A_116 = arith.addi %add3A_114, %add3A_115 : i32
      %add3A_117 = arith.constant 768 : i32
      %add3A_118 = vector.broadcast %add3A_117 : i32 to vector<16xi32>
      %add3A_119 = arith.addi %add3A_39, %add3A_118 : vector<16xi32>
      %swap3A_120 = arith.index_cast %add3A_116 : i32 to index
      %swap3A_121 = arith.constant 0 : index
      %swap3A_122 = tpu.vector_load %arg6[%swap3A_120, %swap3A_121] {strides = array<i32>} : memref<416x128xi32, #tpu.memory_space<vmem>>, vector<16xi32>,
      tpu.vector_store %arg6[%swap3A_120, %swap3A_121], %add3A_119 {strides = array<i32>} : memref<416x128xi32, #tpu.memory_space<vmem>>, vector<16xi32>,
      %mul3A_123 = arith.constant 16 : i32
      %mul3A_124 = arith.muli %scan3A_19, %mul3A_123 : i32
      %add3A_125 = arith.constant 0 : i32
      %add3A_126 = arith.addi %mul3A_124, %add3A_125 : i32
      %add3A_127 = arith.constant 7 : i32
      %add3A_128 = arith.addi %add3A_126, %add3A_127 : i32
      %add3A_129 = arith.constant 896 : i32
      %add3A_130 = vector.broadcast %add3A_129 : i32 to vector<16xi32>
      %add3A_131 = arith.addi %add3A_39, %add3A_130 : vector<16xi32>
      %swap3A_132 = arith.index_cast %add3A_128 : i32 to index
      %swap3A_133 = arith.constant 0 : index
      %swap3A_134 = tpu.vector_load %arg6[%swap3A_132, %swap3A_133] {strides = array<i32>} : memref<416x128xi32, #tpu.memory_space<vmem>>, vector<16xi32>,
      tpu.vector_store %arg6[%swap3A_132, %swap3A_133], %add3A_131 {strides = array<i32>} : memref<416x128xi32, #tpu.memory_space<vmem>>, vector<16xi32>,
      %mul3A_135 = arith.constant 16 : i32
      %mul3A_136 = arith.muli %scan3A_19, %mul3A_135 : i32
      %add3A_137 = arith.constant 8 : i32
      %add3A_138 = arith.addi %mul3A_136, %add3A_137 : i32
      %add3A_139 = arith.constant 0 : i32
      %add3A_140 = arith.addi %add3A_138, %add3A_139 : i32
      %add3A_141 = arith.constant 8320000 : i32
      %add3A_142 = vector.broadcast %add3A_141 : i32 to vector<16xi32>
      %add3A_143 = arith.addi %add3A_39, %add3A_142 : vector<16xi32>
      %swap3A_144 = arith.index_cast %add3A_140 : i32 to index
      %swap3A_145 = arith.constant 0 : index
      %swap3A_146 = tpu.vector_load %arg6[%swap3A_144, %swap3A_145] {strides = array<i32>} : memref<416x128xi32, #tpu.memory_space<vmem>>, vector<16xi32>,
      tpu.vector_store %arg6[%swap3A_144, %swap3A_145], %add3A_143 {strides = array<i32>} : memref<416x128xi32, #tpu.memory_space<vmem>>, vector<16xi32>,
      %mul3A_147 = arith.constant 16 : i32
      %mul3A_148 = arith.muli %scan3A_19, %mul3A_147 : i32
      %add3A_149 = arith.constant 8 : i32
      %add3A_150 = arith.addi %mul3A_148, %add3A_149 : i32
      %add3A_151 = arith.constant 1 : i32
      %add3A_152 = arith.addi %add3A_150, %add3A_151 : i32
      %add3A_153 = arith.constant 8320128 : i32
      %add3A_154 = vector.broadcast %add3A_153 : i32 to vector<16xi32>
      %add3A_155 = arith.addi %add3A_39, %add3A_154 : vector<16xi32>
      %swap3A_156 = arith.index_cast %add3A_152 : i32 to index
      %swap3A_157 = arith.constant 0 : index
      %swap3A_158 = tpu.vector_load %arg6[%swap3A_156, %swap3A_157] {strides = array<i32>} : memref<416x128xi32, #tpu.memory_space<vmem>>, vector<16xi32>,
      tpu.vector_store %arg6[%swap3A_156, %swap3A_157], %add3A_155 {strides = array<i32>} : memref<416x128xi32, #tpu.memory_space<vmem>>, vector<16xi32>,
      %mul3A_159 = arith.constant 16 : i32
      %mul3A_160 = arith.muli %scan3A_19, %mul3A_159 : i32
      %add3A_161 = arith.constant 8 : i32
      %add3A_162 = arith.addi %mul3A_160, %add3A_161 : i32
      %add3A_163 = arith.constant 2 : i32
      %add3A_164 = arith.addi %add3A_162, %add3A_163 : i32
      %add3A_165 = arith.constant 8320256 : i32
      %add3A_166 = vector.broadcast %add3A_165 : i32 to vector<16xi32>
      %add3A_167 = arith.addi %add3A_39, %add3A_166 : vector<16xi32>
      %swap3A_168 = arith.index_cast %add3A_164 : i32 to index
      %swap3A_169 = arith.constant 0 : index
      %swap3A_170 = tpu.vector_load %arg6[%swap3A_168, %swap3A_169] {strides = array<i32>} : memref<416x128xi32, #tpu.memory_space<vmem>>, vector<16xi32>,
      tpu.vector_store %arg6[%swap3A_168, %swap3A_169], %add3A_167 {strides = array<i32>} : memref<416x128xi32, #tpu.memory_space<vmem>>, vector<16xi32>,
      %mul3A_171 = arith.constant 16 : i32
      %mul3A_172 = arith.muli %scan3A_19, %mul3A_171 : i32
      %add3A_173 = arith.constant 8 : i32
      %add3A_174 = arith.addi %mul3A_172, %add3A_173 : i32
      %add3A_175 = arith.constant 3 : i32
      %add3A_176 = arith.addi %add3A_174, %add3A_175 : i32
      %add3A_177 = arith.constant 8320384 : i32
      %add3A_178 = vector.broadcast %add3A_177 : i32 to vector<16xi32>
      %add3A_179 = arith.addi %add3A_39, %add3A_178 : vector<16xi32>
      %swap3A_180 = arith.index_cast %add3A_176 : i32 to index
      %swap3A_181 = arith.constant 0 : index
      %swap3A_182 = tpu.vector_load %arg6[%swap3A_180, %swap3A_181] {strides = array<i32>} : memref<416x128xi32, #tpu.memory_space<vmem>>, vector<16xi32>,
      tpu.vector_store %arg6[%swap3A_180, %swap3A_181], %add3A_179 {strides = array<i32>} : memref<416x128xi32, #tpu.memory_space<vmem>>, vector<16xi32>,
      %mul3A_183 = arith.constant 16 : i32
      %mul3A_184 = arith.muli %scan3A_19, %mul3A_183 : i32
      %add3A_185 = arith.constant 8 : i32
      %add3A_186 = arith.addi %mul3A_184, %add3A_185 : i32
      %add3A_187 = arith.constant 4 : i32
      %add3A_188 = arith.addi %add3A_186, %add3A_187 : i32
      %add3A_189 = arith.constant 8320512 : i32
      %add3A_190 = vector.broadcast %add3A_189 : i32 to vector<16xi32>
      %add3A_191 = arith.addi %add3A_39, %add3A_190 : vector<16xi32>
      %swap3A_192 = arith.index_cast %add3A_188 : i32 to index
      %swap3A_193 = arith.constant 0 : index
      %swap3A_194 = tpu.vector_load %arg6[%swap3A_192, %swap3A_193] {strides = array<i32>} : memref<416x128xi32, #tpu.memory_space<vmem>>, vector<16xi32>,
      tpu.vector_store %arg6[%swap3A_192, %swap3A_193], %add3A_191 {strides = array<i32>} : memref<416x128xi32, #tpu.memory_space<vmem>>, vector<16xi32>,
      %mul3A_195 = arith.constant 16 : i32
      %mul3A_196 = arith.muli %scan3A_19, %mul3A_195 : i32
      %add3A_197 = arith.constant 8 : i32
      %add3A_198 = arith.addi %mul3A_196, %add3A_197 : i32
      %add3A_199 = arith.constant 5 : i32
      %add3A_200 = arith.addi %add3A_198, %add3A_199 : i32
      %add3A_201 = arith.constant 8320640 : i32
      %add3A_202 = vector.broadcast %add3A_201 : i32 to vector<16xi32>
      %add3A_203 = arith.addi %add3A_39, %add3A_202 : vector<16xi32>
      %swap3A_204 = arith.index_cast %add3A_200 : i32 to index
      %swap3A_205 = arith.constant 0 : index
      %swap3A_206 = tpu.vector_load %arg6[%swap3A_204, %swap3A_205] {strides = array<i32>} : memref<416x128xi32, #tpu.memory_space<vmem>>, vector<16xi32>,
      tpu.vector_store %arg6[%swap3A_204, %swap3A_205], %add3A_203 {strides = array<i32>} : memref<416x128xi32, #tpu.memory_space<vmem>>, vector<16xi32>,
      %mul3A_207 = arith.constant 16 : i32
      %mul3A_208 = arith.muli %scan3A_19, %mul3A_207 : i32
      %add3A_209 = arith.constant 8 : i32
      %add3A_210 = arith.addi %mul3A_208, %add3A_209 : i32
      %add3A_211 = arith.constant 6 : i32
      %add3A_212 = arith.addi %add3A_210, %add3A_211 : i32
      %add3A_213 = arith.constant 8320768 : i32
      %add3A_214 = vector.broadcast %add3A_213 : i32 to vector<16xi32>
      %add3A_215 = arith.addi %add3A_39, %add3A_214 : vector<16xi32>
      %swap3A_216 = arith.index_cast %add3A_212 : i32 to index
      %swap3A_217 = arith.constant 0 : index
      %swap3A_218 = tpu.vector_load %arg6[%swap3A_216, %swap3A_217] {strides = array<i32>} : memref<416x128xi32, #tpu.memory_space<vmem>>, vector<16xi32>,
      tpu.vector_store %arg6[%swap3A_216, %swap3A_217], %add3A_215 {strides = array<i32>} : memref<416x128xi32, #tpu.memory_space<vmem>>, vector<16xi32>,
      %mul3A_219 = arith.constant 16 : i32
      %mul3A_220 = arith.muli %scan3A_19, %mul3A_219 : i32
      %add3A_221 = arith.constant 8 : i32
      %add3A_222 = arith.addi %mul3A_220, %add3A_221 : i32
      %add3A_223 = arith.constant 7 : i32
      %add3A_224 = arith.addi %add3A_222, %add3A_223 : i32
      %add3A_225 = arith.constant 8320896 : i32
      %add3A_226 = vector.broadcast %add3A_225 : i32 to vector<16xi32>
      %add3A_227 = arith.addi %add3A_39, %add3A_226 : vector<16xi32>
      %swap3A_228 = arith.index_cast %add3A_224 : i32 to index
      %swap3A_229 = arith.constant 0 : index
      %swap3A_230 = tpu.vector_load %arg6[%swap3A_228, %swap3A_229] {strides = array<i32>} : memref<416x128xi32, #tpu.memory_space<vmem>>, vector<16xi32>,
      tpu.vector_store %arg6[%swap3A_228, %swap3A_229], %add3A_227 {strides = array<i32>} : memref<416x128xi32, #tpu.memory_space<vmem>>, vector<16xi32>,
      %add3A_231 = arith.constant 16 : i32
      %add3A_232 = vector.broadcast %add3A_231 : i32 to vector<16xi32>
      %add3A_233 = arith.addi %add3A_232, %iota3A : vector<16xi32>
      %mul3A_234 = arith.constant 26 : i32
      %mul3A_235 = vector.broadcast %mul3A_234 : i32 to vector<16xi32>
      %mul3A_236 = arith.muli %add3A_233, %mul3A_235 : vector<16xi32>
      %add3A_237 = vector.broadcast %scan3A_19 : i32 to vector<16xi32>
      %add3A_238 = arith.addi %mul3A_236, %add3A_237 : vector<16xi32>
      %gather3A_239 = tpu.vector_load_idx %arg5[%add3A_238] : memref<3328xi32, #tpu.memory_space<vmem>>[vector<16xi32>], vector<16xi32>,
      %add3A_240 = vector.broadcast %mul3A_21 : i32 to vector<16xi32>
      %add3A_241 = arith.addi %gather3A_239, %add3A_240 : vector<16xi32>
      %shift_right_logical3A_242 = arith.constant 7 : i32
      %shift_right_logical3A_243 = vector.broadcast %shift_right_logical3A_242 : i32 to vector<16xi32>
      %shift_right_logical3A_244 = arith.shrui %add3A_241, %shift_right_logical3A_243 : vector<16xi32>
      %mul3A_245 = arith.constant 1024 : i32
      %mul3A_246 = vector.broadcast %mul3A_245 : i32 to vector<16xi32>
      %mul3A_247 = arith.muli %shift_right_logical3A_244, %mul3A_246 : vector<16xi32>
      %and3A_248 = arith.constant 127 : i32
      %and3A_249 = vector.broadcast %and3A_248 : i32 to vector<16xi32>
      %and3A_250 = arith.andi %add3A_241, %and3A_249 : vector<16xi32>
      %add3A_251 = arith.addi %mul3A_247, %and3A_250 : vector<16xi32>
      %mul3A_252 = arith.constant 16 : i32
      %mul3A_253 = arith.muli %scan3A_19, %mul3A_252 : i32
      %add3A_254 = arith.constant 0 : i32
      %add3A_255 = arith.addi %mul3A_253, %add3A_254 : i32
      %add3A_256 = arith.constant 0 : i32
      %add3A_257 = arith.addi %add3A_255, %add3A_256 : i32
      %add3A_258 = arith.constant 0 : i32
      %add3A_259 = vector.broadcast %add3A_258 : i32 to vector<16xi32>
      %add3A_260 = arith.addi %add3A_251, %add3A_259 : vector<16xi32>
      %swap3A_261 = arith.index_cast %add3A_257 : i32 to index
      %swap3A_262 = arith.constant 16 : index
      %swap3A_263 = tpu.vector_load %arg6[%swap3A_261, %swap3A_262] {strides = array<i32>} : memref<416x128xi32, #tpu.memory_space<vmem>>, vector<16xi32>,
      tpu.vector_store %arg6[%swap3A_261, %swap3A_262], %add3A_260 {strides = array<i32>} : memref<416x128xi32, #tpu.memory_space<vmem>>, vector<16xi32>,
      %mul3A_264 = arith.constant 16 : i32
      %mul3A_265 = arith.muli %scan3A_19, %mul3A_264 : i32
      %add3A_266 = arith.constant 0 : i32
      %add3A_267 = arith.addi %mul3A_265, %add3A_266 : i32
      %add3A_268 = arith.constant 1 : i32
      %add3A_269 = arith.addi %add3A_267, %add3A_268 : i32
      %add3A_270 = arith.constant 128 : i32
      %add3A_271 = vector.broadcast %add3A_270 : i32 to vector<16xi32>
      %add3A_272 = arith.addi %add3A_251, %add3A_271 : vector<16xi32>
      %swap3A_273 = arith.index_cast %add3A_269 : i32 to index
      %swap3A_274 = arith.constant 16 : index
      %swap3A_275 = tpu.vector_load %arg6[%swap3A_273, %swap3A_274] {strides = array<i32>} : memref<416x128xi32, #tpu.memory_space<vmem>>, vector<16xi32>,
      tpu.vector_store %arg6[%swap3A_273, %swap3A_274], %add3A_272 {strides = array<i32>} : memref<416x128xi32, #tpu.memory_space<vmem>>, vector<16xi32>,
      %mul3A_276 = arith.constant 16 : i32
      %mul3A_277 = arith.muli %scan3A_19, %mul3A_276 : i32
      %add3A_278 = arith.constant 0 : i32
      %add3A_279 = arith.addi %mul3A_277, %add3A_278 : i32
      %add3A_280 = arith.constant 2 : i32
      %add3A_281 = arith.addi %add3A_279, %add3A_280 : i32
      %add3A_282 = arith.constant 256 : i32
      %add3A_283 = vector.broadcast %add3A_282 : i32 to vector<16xi32>
      %add3A_284 = arith.addi %add3A_251, %add3A_283 : vector<16xi32>
      %swap3A_285 = arith.index_cast %add3A_281 : i32 to index
      %swap3A_286 = arith.constant 16 : index
      %swap3A_287 = tpu.vector_load %arg6[%swap3A_285, %swap3A_286] {strides = array<i32>} : memref<416x128xi32, #tpu.memory_space<vmem>>, vector<16xi32>,
      tpu.vector_store %arg6[%swap3A_285, %swap3A_286], %add3A_284 {strides = array<i32>} : memref<416x128xi32, #tpu.memory_space<vmem>>, vector<16xi32>,
      %mul3A_288 = arith.constant 16 : i32
      %mul3A_289 = arith.muli %scan3A_19, %mul3A_288 : i32
      %add3A_290 = arith.constant 0 : i32
      %add3A_291 = arith.addi %mul3A_289, %add3A_290 : i32
      %add3A_292 = arith.constant 3 : i32
      %add3A_293 = arith.addi %add3A_291, %add3A_292 : i32
      %add3A_294 = arith.constant 384 : i32
      %add3A_295 = vector.broadcast %add3A_294 : i32 to vector<16xi32>
      %add3A_296 = arith.addi %add3A_251, %add3A_295 : vector<16xi32>
      %swap3A_297 = arith.index_cast %add3A_293 : i32 to index
      %swap3A_298 = arith.constant 16 : index
      %swap3A_299 = tpu.vector_load %arg6[%swap3A_297, %swap3A_298] {strides = array<i32>} : memref<416x128xi32, #tpu.memory_space<vmem>>, vector<16xi32>,
      tpu.vector_store %arg6[%swap3A_297, %swap3A_298], %add3A_296 {strides = array<i32>} : memref<416x128xi32, #tpu.memory_space<vmem>>, vector<16xi32>,
      %mul3A_300 = arith.constant 16 : i32
      %mul3A_301 = arith.muli %scan3A_19, %mul3A_300 : i32
      %add3A_302 = arith.constant 0 : i32
      %add3A_303 = arith.addi %mul3A_301, %add3A_302 : i32
      %add3A_304 = arith.constant 4 : i32
      %add3A_305 = arith.addi %add3A_303, %add3A_304 : i32
      %add3A_306 = arith.constant 512 : i32
      %add3A_307 = vector.broadcast %add3A_306 : i32 to vector<16xi32>
      %add3A_308 = arith.addi %add3A_251, %add3A_307 : vector<16xi32>
      %swap3A_309 = arith.index_cast %add3A_305 : i32 to index
      %swap3A_310 = arith.constant 16 : index
      %swap3A_311 = tpu.vector_load %arg6[%swap3A_309, %swap3A_310] {strides = array<i32>} : memref<416x128xi32, #tpu.memory_space<vmem>>, vector<16xi32>,
      tpu.vector_store %arg6[%swap3A_309, %swap3A_310], %add3A_308 {strides = array<i32>} : memref<416x128xi32, #tpu.memory_space<vmem>>, vector<16xi32>,
      %mul3A_312 = arith.constant 16 : i32
      %mul3A_313 = arith.muli %scan3A_19, %mul3A_312 : i32
      %add3A_314 = arith.constant 0 : i32
      %add3A_315 = arith.addi %mul3A_313, %add3A_314 : i32
      %add3A_316 = arith.constant 5 : i32
      %add3A_317 = arith.addi %add3A_315, %add3A_316 : i32
      %add3A_318 = arith.constant 640 : i32
      %add3A_319 = vector.broadcast %add3A_318 : i32 to vector<16xi32>
      %add3A_320 = arith.addi %add3A_251, %add3A_319 : vector<16xi32>
      %swap3A_321 = arith.index_cast %add3A_317 : i32 to index
      %swap3A_322 = arith.constant 16 : index
      %swap3A_323 = tpu.vector_load %arg6[%swap3A_321, %swap3A_322] {strides = array<i32>} : memref<416x128xi32, #tpu.memory_space<vmem>>, vector<16xi32>,
      tpu.vector_store %arg6[%swap3A_321, %swap3A_322], %add3A_320 {strides = array<i32>} : memref<416x128xi32, #tpu.memory_space<vmem>>, vector<16xi32>,
      %mul3A_324 = arith.constant 16 : i32
      %mul3A_325 = arith.muli %scan3A_19, %mul3A_324 : i32
      %add3A_326 = arith.constant 0 : i32
      %add3A_327 = arith.addi %mul3A_325, %add3A_326 : i32
      %add3A_328 = arith.constant 6 : i32
      %add3A_329 = arith.addi %add3A_327, %add3A_328 : i32
      %add3A_330 = arith.constant 768 : i32
      %add3A_331 = vector.broadcast %add3A_330 : i32 to vector<16xi32>
      %add3A_332 = arith.addi %add3A_251, %add3A_331 : vector<16xi32>
      %swap3A_333 = arith.index_cast %add3A_329 : i32 to index
      %swap3A_334 = arith.constant 16 : index
      %swap3A_335 = tpu.vector_load %arg6[%swap3A_333, %swap3A_334] {strides = array<i32>} : memref<416x128xi32, #tpu.memory_space<vmem>>, vector<16xi32>,
      tpu.vector_store %arg6[%swap3A_333, %swap3A_334], %add3A_332 {strides = array<i32>} : memref<416x128xi32, #tpu.memory_space<vmem>>, vector<16xi32>,
      %mul3A_336 = arith.constant 16 : i32
      %mul3A_337 = arith.muli %scan3A_19, %mul3A_336 : i32
      %add3A_338 = arith.constant 0 : i32
      %add3A_339 = arith.addi %mul3A_337, %add3A_338 : i32
      %add3A_340 = arith.constant 7 : i32
      %add3A_341 = arith.addi %add3A_339, %add3A_340 : i32
      %add3A_342 = arith.constant 896 : i32
      %add3A_343 = vector.broadcast %add3A_342 : i32 to vector<16xi32>
      %add3A_344 = arith.addi %add3A_251, %add3A_343 : vector<16xi32>
      %swap3A_345 = arith.index_cast %add3A_341 : i32 to index
      %swap3A_346 = arith.constant 16 : index
      %swap3A_347 = tpu.vector_load %arg6[%swap3A_345, %swap3A_346] {strides = array<i32>} : memref<416x128xi32, #tpu.memory_space<vmem>>, vector<16xi32>,
      tpu.vector_store %arg6[%swap3A_345, %swap3A_346], %add3A_344 {strides = array<i32>} : memref<416x128xi32, #tpu.memory_space<vmem>>, vector<16xi32>,
      %mul3A_348 = arith.constant 16 : i32
      %mul3A_349 = arith.muli %scan3A_19, %mul3A_348 : i32
      %add3A_350 = arith.constant 8 : i32
      %add3A_351 = arith.addi %mul3A_349, %add3A_350 : i32
      %add3A_352 = arith.constant 0 : i32
      %add3A_353 = arith.addi %add3A_351, %add3A_352 : i32
      %add3A_354 = arith.constant 8320000 : i32
      %add3A_355 = vector.broadcast %add3A_354 : i32 to vector<16xi32>
      %add3A_356 = arith.addi %add3A_251, %add3A_355 : vector<16xi32>
      %swap3A_357 = arith.index_cast %add3A_353 : i32 to index
      %swap3A_358 = arith.constant 16 : index
      %swap3A_359 = tpu.vector_load %arg6[%swap3A_357, %swap3A_358] {strides = array<i32>} : memref<416x128xi32, #tpu.memory_space<vmem>>, vector<16xi32>,
      tpu.vector_store %arg6[%swap3A_357, %swap3A_358], %add3A_356 {strides = array<i32>} : memref<416x128xi32, #tpu.memory_space<vmem>>, vector<16xi32>,
      %mul3A_360 = arith.constant 16 : i32
      %mul3A_361 = arith.muli %scan3A_19, %mul3A_360 : i32
      %add3A_362 = arith.constant 8 : i32
      %add3A_363 = arith.addi %mul3A_361, %add3A_362 : i32
      %add3A_364 = arith.constant 1 : i32
      %add3A_365 = arith.addi %add3A_363, %add3A_364 : i32
      %add3A_366 = arith.constant 8320128 : i32
      %add3A_367 = vector.broadcast %add3A_366 : i32 to vector<16xi32>
      %add3A_368 = arith.addi %add3A_251, %add3A_367 : vector<16xi32>
      %swap3A_369 = arith.index_cast %add3A_365 : i32 to index
      %swap3A_370 = arith.constant 16 : index
      %swap3A_371 = tpu.vector_load %arg6[%swap3A_369, %swap3A_370] {strides = array<i32>} : memref<416x128xi32, #tpu.memory_space<vmem>>, vector<16xi32>,
      tpu.vector_store %arg6[%swap3A_369, %swap3A_370], %add3A_368 {strides = array<i32>} : memref<416x128xi32, #tpu.memory_space<vmem>>, vector<16xi32>,
      %mul3A_372 = arith.constant 16 : i32
      %mul3A_373 = arith.muli %scan3A_19, %mul3A_372 : i32
      %add3A_374 = arith.constant 8 : i32
      %add3A_375 = arith.addi %mul3A_373, %add3A_374 : i32
      %add3A_376 = arith.constant 2 : i32
      %add3A_377 = arith.addi %add3A_375, %add3A_376 : i32
      %add3A_378 = arith.constant 8320256 : i32
      %add3A_379 = vector.broadcast %add3A_378 : i32 to vector<16xi32>
      %add3A_380 = arith.addi %add3A_251, %add3A_379 : vector<16xi32>
      %swap3A_381 = arith.index_cast %add3A_377 : i32 to index
      %swap3A_382 = arith.constant 16 : index
      %swap3A_383 = tpu.vector_load %arg6[%swap3A_381, %swap3A_382] {strides = array<i32>} : memref<416x128xi32, #tpu.memory_space<vmem>>, vector<16xi32>,
      tpu.vector_store %arg6[%swap3A_381, %swap3A_382], %add3A_380 {strides = array<i32>} : memref<416x128xi32, #tpu.memory_space<vmem>>, vector<16xi32>,
      %mul3A_384 = arith.constant 16 : i32
      %mul3A_385 = arith.muli %scan3A_19, %mul3A_384 : i32
      %add3A_386 = arith.constant 8 : i32
      %add3A_387 = arith.addi %mul3A_385, %add3A_386 : i32
      %add3A_388 = arith.constant 3 : i32
      %add3A_389 = arith.addi %add3A_387, %add3A_388 : i32
      %add3A_390 = arith.constant 8320384 : i32
      %add3A_391 = vector.broadcast %add3A_390 : i32 to vector<16xi32>
      %add3A_392 = arith.addi %add3A_251, %add3A_391 : vector<16xi32>
      %swap3A_393 = arith.index_cast %add3A_389 : i32 to index
      %swap3A_394 = arith.constant 16 : index
      %swap3A_395 = tpu.vector_load %arg6[%swap3A_393, %swap3A_394] {strides = array<i32>} : memref<416x128xi32, #tpu.memory_space<vmem>>, vector<16xi32>,
      tpu.vector_store %arg6[%swap3A_393, %swap3A_394], %add3A_392 {strides = array<i32>} : memref<416x128xi32, #tpu.memory_space<vmem>>, vector<16xi32>,
      %mul3A_396 = arith.constant 16 : i32
      %mul3A_397 = arith.muli %scan3A_19, %mul3A_396 : i32
      %add3A_398 = arith.constant 8 : i32
      %add3A_399 = arith.addi %mul3A_397, %add3A_398 : i32
      %add3A_400 = arith.constant 4 : i32
      %add3A_401 = arith.addi %add3A_399, %add3A_400 : i32
      %add3A_402 = arith.constant 8320512 : i32
      %add3A_403 = vector.broadcast %add3A_402 : i32 to vector<16xi32>
      %add3A_404 = arith.addi %add3A_251, %add3A_403 : vector<16xi32>
      %swap3A_405 = arith.index_cast %add3A_401 : i32 to index
      %swap3A_406 = arith.constant 16 : index
      %swap3A_407 = tpu.vector_load %arg6[%swap3A_405, %swap3A_406] {strides = array<i32>} : memref<416x128xi32, #tpu.memory_space<vmem>>, vector<16xi32>,
      tpu.vector_store %arg6[%swap3A_405, %swap3A_406], %add3A_404 {strides = array<i32>} : memref<416x128xi32, #tpu.memory_space<vmem>>, vector<16xi32>,
      %mul3A_408 = arith.constant 16 : i32
      %mul3A_409 = arith.muli %scan3A_19, %mul3A_408 : i32
      %add3A_410 = arith.constant 8 : i32
      %add3A_411 = arith.addi %mul3A_409, %add3A_410 : i32
      %add3A_412 = arith.constant 5 : i32
      %add3A_413 = arith.addi %add3A_411, %add3A_412 : i32
      %add3A_414 = arith.constant 8320640 : i32
      %add3A_415 = vector.broadcast %add3A_414 : i32 to vector<16xi32>
      %add3A_416 = arith.addi %add3A_251, %add3A_415 : vector<16xi32>
      %swap3A_417 = arith.index_cast %add3A_413 : i32 to index
      %swap3A_418 = arith.constant 16 : index
      %swap3A_419 = tpu.vector_load %arg6[%swap3A_417, %swap3A_418] {strides = array<i32>} : memref<416x128xi32, #tpu.memory_space<vmem>>, vector<16xi32>,
      tpu.vector_store %arg6[%swap3A_417, %swap3A_418], %add3A_416 {strides = array<i32>} : memref<416x128xi32, #tpu.memory_space<vmem>>, vector<16xi32>,
      %mul3A_420 = arith.constant 16 : i32
      %mul3A_421 = arith.muli %scan3A_19, %mul3A_420 : i32
      %add3A_422 = arith.constant 8 : i32
      %add3A_423 = arith.addi %mul3A_421, %add3A_422 : i32
      %add3A_424 = arith.constant 6 : i32
      %add3A_425 = arith.addi %add3A_423, %add3A_424 : i32
      %add3A_426 = arith.constant 8320768 : i32
      %add3A_427 = vector.broadcast %add3A_426 : i32 to vector<16xi32>
      %add3A_428 = arith.addi %add3A_251, %add3A_427 : vector<16xi32>
      %swap3A_429 = arith.index_cast %add3A_425 : i32 to index
      %swap3A_430 = arith.constant 16 : index
      %swap3A_431 = tpu.vector_load %arg6[%swap3A_429, %swap3A_430] {strides = array<i32>} : memref<416x128xi32, #tpu.memory_space<vmem>>, vector<16xi32>,
      tpu.vector_store %arg6[%swap3A_429, %swap3A_430], %add3A_428 {strides = array<i32>} : memref<416x128xi32, #tpu.memory_space<vmem>>, vector<16xi32>,
      %mul3A_432 = arith.constant 16 : i32
      %mul3A_433 = arith.muli %scan3A_19, %mul3A_432 : i32
      %add3A_434 = arith.constant 8 : i32
      %add3A_435 = arith.addi %mul3A_433, %add3A_434 : i32
      %add3A_436 = arith.constant 7 : i32
      %add3A_437 = arith.addi %add3A_435, %add3A_436 : i32
      %add3A_438 = arith.constant 8320896 : i32
      %add3A_439 = vector.broadcast %add3A_438 : i32 to vector<16xi32>
      %add3A_440 = arith.addi %add3A_251, %add3A_439 : vector<16xi32>
      %swap3A_441 = arith.index_cast %add3A_437 : i32 to index
      %swap3A_442 = arith.constant 16 : index
      %swap3A_443 = tpu.vector_load %arg6[%swap3A_441, %swap3A_442] {strides = array<i32>} : memref<416x128xi32, #tpu.memory_space<vmem>>, vector<16xi32>,
      tpu.vector_store %arg6[%swap3A_441, %swap3A_442], %add3A_440 {strides = array<i32>} : memref<416x128xi32, #tpu.memory_space<vmem>>, vector<16xi32>,
      %add3A_444 = arith.constant 32 : i32
      %add3A_445 = vector.broadcast %add3A_444 : i32 to vector<16xi32>
      %add3A_446 = arith.addi %add3A_445, %iota3A : vector<16xi32>
      %mul3A_447 = arith.constant 26 : i32
      %mul3A_448 = vector.broadcast %mul3A_447 : i32 to vector<16xi32>
      %mul3A_449 = arith.muli %add3A_446, %mul3A_448 : vector<16xi32>
      %add3A_450 = vector.broadcast %scan3A_19 : i32 to vector<16xi32>
      %add3A_451 = arith.addi %mul3A_449, %add3A_450 : vector<16xi32>
      %gather3A_452 = tpu.vector_load_idx %arg5[%add3A_451] : memref<3328xi32, #tpu.memory_space<vmem>>[vector<16xi32>], vector<16xi32>,
      %add3A_453 = vector.broadcast %mul3A_21 : i32 to vector<16xi32>
      %add3A_454 = arith.addi %gather3A_452, %add3A_453 : vector<16xi32>
      %shift_right_logical3A_455 = arith.constant 7 : i32
      %shift_right_logical3A_456 = vector.broadcast %shift_right_logical3A_455 : i32 to vector<16xi32>
      %shift_right_logical3A_457 = arith.shrui %add3A_454, %shift_right_logical3A_456 : vector<16xi32>
      %mul3A_458 = arith.constant 1024 : i32
      %mul3A_459 = vector.broadcast %mul3A_458 : i32 to vector<16xi32>
      %mul3A_460 = arith.muli %shift_right_logical3A_457, %mul3A_459 : vector<16xi32>
      %and3A_461 = arith.constant 127 : i32
      %and3A_462 = vector.broadcast %and3A_461 : i32 to vector<16xi32>
      %and3A_463 = arith.andi %add3A_454, %and3A_462 : vector<16xi32>
      %add3A_464 = arith.addi %mul3A_460, %and3A_463 : vector<16xi32>
      %mul3A_465 = arith.constant 16 : i32
      %mul3A_466 = arith.muli %scan3A_19, %mul3A_465 : i32
      %add3A_467 = arith.constant 0 : i32
      %add3A_468 = arith.addi %mul3A_466, %add3A_467 : i32
      %add3A_469 = arith.constant 0 : i32
      %add3A_470 = arith.addi %add3A_468, %add3A_469 : i32
      %add3A_471 = arith.constant 0 : i32
      %add3A_472 = vector.broadcast %add3A_471 : i32 to vector<16xi32>
      %add3A_473 = arith.addi %add3A_464, %add3A_472 : vector<16xi32>
      %swap3A_474 = arith.index_cast %add3A_470 : i32 to index
      %swap3A_475 = arith.constant 32 : index
      %swap3A_476 = tpu.vector_load %arg6[%swap3A_474, %swap3A_475] {strides = array<i32>} : memref<416x128xi32, #tpu.memory_space<vmem>>, vector<16xi32>,
      tpu.vector_store %arg6[%swap3A_474, %swap3A_475], %add3A_473 {strides = array<i32>} : memref<416x128xi32, #tpu.memory_space<vmem>>, vector<16xi32>,
      %mul3A_477 = arith.constant 16 : i32
      %mul3A_478 = arith.muli %scan3A_19, %mul3A_477 : i32
      %add3A_479 = arith.constant 0 : i32
      %add3A_480 = arith.addi %mul3A_478, %add3A_479 : i32
      %add3A_481 = arith.constant 1 : i32
      %add3A_482 = arith.addi %add3A_480, %add3A_481 : i32
      %add3A_483 = arith.constant 128 : i32
      %add3A_484 = vector.broadcast %add3A_483 : i32 to vector<16xi32>
      %add3A_485 = arith.addi %add3A_464, %add3A_484 : vector<16xi32>
      %swap3A_486 = arith.index_cast %add3A_482 : i32 to index
      %swap3A_487 = arith.constant 32 : index
      %swap3A_488 = tpu.vector_load %arg6[%swap3A_486, %swap3A_487] {strides = array<i32>} : memref<416x128xi32, #tpu.memory_space<vmem>>, vector<16xi32>,
      tpu.vector_store %arg6[%swap3A_486, %swap3A_487], %add3A_485 {strides = array<i32>} : memref<416x128xi32, #tpu.memory_space<vmem>>, vector<16xi32>,
      %mul3A_489 = arith.constant 16 : i32
      %mul3A_490 = arith.muli %scan3A_19, %mul3A_489 : i32
      %add3A_491 = arith.constant 0 : i32
      %add3A_492 = arith.addi %mul3A_490, %add3A_491 : i32
      %add3A_493 = arith.constant 2 : i32
      %add3A_494 = arith.addi %add3A_492, %add3A_493 : i32
      %add3A_495 = arith.constant 256 : i32
      %add3A_496 = vector.broadcast %add3A_495 : i32 to vector<16xi32>
      %add3A_497 = arith.addi %add3A_464, %add3A_496 : vector<16xi32>
      %swap3A_498 = arith.index_cast %add3A_494 : i32 to index
      %swap3A_499 = arith.constant 32 : index
      %swap3A_500 = tpu.vector_load %arg6[%swap3A_498, %swap3A_499] {strides = array<i32>} : memref<416x128xi32, #tpu.memory_space<vmem>>, vector<16xi32>,
      tpu.vector_store %arg6[%swap3A_498, %swap3A_499], %add3A_497 {strides = array<i32>} : memref<416x128xi32, #tpu.memory_space<vmem>>, vector<16xi32>,
      %mul3A_501 = arith.constant 16 : i32
      %mul3A_502 = arith.muli %scan3A_19, %mul3A_501 : i32
      %add3A_503 = arith.constant 0 : i32
      %add3A_504 = arith.addi %mul3A_502, %add3A_503 : i32
      %add3A_505 = arith.constant 3 : i32
      %add3A_506 = arith.addi %add3A_504, %add3A_505 : i32
      %add3A_507 = arith.constant 384 : i32
      %add3A_508 = vector.broadcast %add3A_507 : i32 to vector<16xi32>
      %add3A_509 = arith.addi %add3A_464, %add3A_508 : vector<16xi32>
      %swap3A_510 = arith.index_cast %add3A_506 : i32 to index
      %swap3A_511 = arith.constant 32 : index
      %swap3A_512 = tpu.vector_load %arg6[%swap3A_510, %swap3A_511] {strides = array<i32>} : memref<416x128xi32, #tpu.memory_space<vmem>>, vector<16xi32>,
      tpu.vector_store %arg6[%swap3A_510, %swap3A_511], %add3A_509 {strides = array<i32>} : memref<416x128xi32, #tpu.memory_space<vmem>>, vector<16xi32>,
      %mul3A_513 = arith.constant 16 : i32
      %mul3A_514 = arith.muli %scan3A_19, %mul3A_513 : i32
      %add3A_515 = arith.constant 0 : i32
      %add3A_516 = arith.addi %mul3A_514, %add3A_515 : i32
      %add3A_517 = arith.constant 4 : i32
      %add3A_518 = arith.addi %add3A_516, %add3A_517 : i32
      %add3A_519 = arith.constant 512 : i32
      %add3A_520 = vector.broadcast %add3A_519 : i32 to vector<16xi32>
      %add3A_521 = arith.addi %add3A_464, %add3A_520 : vector<16xi32>
      %swap3A_522 = arith.index_cast %add3A_518 : i32 to index
      %swap3A_523 = arith.constant 32 : index
      %swap3A_524 = tpu.vector_load %arg6[%swap3A_522, %swap3A_523] {strides = array<i32>} : memref<416x128xi32, #tpu.memory_space<vmem>>, vector<16xi32>,
      tpu.vector_store %arg6[%swap3A_522, %swap3A_523], %add3A_521 {strides = array<i32>} : memref<416x128xi32, #tpu.memory_space<vmem>>, vector<16xi32>,
      %mul3A_525 = arith.constant 16 : i32
      %mul3A_526 = arith.muli %scan3A_19, %mul3A_525 : i32
      %add3A_527 = arith.constant 0 : i32
      %add3A_528 = arith.addi %mul3A_526, %add3A_527 : i32
      %add3A_529 = arith.constant 5 : i32
      %add3A_530 = arith.addi %add3A_528, %add3A_529 : i32
      %add3A_531 = arith.constant 640 : i32
      %add3A_532 = vector.broadcast %add3A_531 : i32 to vector<16xi32>
      %add3A_533 = arith.addi %add3A_464, %add3A_532 : vector<16xi32>
      %swap3A_534 = arith.index_cast %add3A_530 : i32 to index
      %swap3A_535 = arith.constant 32 : index
      %swap3A_536 = tpu.vector_load %arg6[%swap3A_534, %swap3A_535] {strides = array<i32>} : memref<416x128xi32, #tpu.memory_space<vmem>>, vector<16xi32>,
      tpu.vector_store %arg6[%swap3A_534, %swap3A_535], %add3A_533 {strides = array<i32>} : memref<416x128xi32, #tpu.memory_space<vmem>>, vector<16xi32>,
      %mul3A_537 = arith.constant 16 : i32
      %mul3A_538 = arith.muli %scan3A_19, %mul3A_537 : i32
      %add3A_539 = arith.constant 0 : i32
      %add3A_540 = arith.addi %mul3A_538, %add3A_539 : i32
      %add3A_541 = arith.constant 6 : i32
      %add3A_542 = arith.addi %add3A_540, %add3A_541 : i32
      %add3A_543 = arith.constant 768 : i32
      %add3A_544 = vector.broadcast %add3A_543 : i32 to vector<16xi32>
      %add3A_545 = arith.addi %add3A_464, %add3A_544 : vector<16xi32>
      %swap3A_546 = arith.index_cast %add3A_542 : i32 to index
      %swap3A_547 = arith.constant 32 : index
      %swap3A_548 = tpu.vector_load %arg6[%swap3A_546, %swap3A_547] {strides = array<i32>} : memref<416x128xi32, #tpu.memory_space<vmem>>, vector<16xi32>,
      tpu.vector_store %arg6[%swap3A_546, %swap3A_547], %add3A_545 {strides = array<i32>} : memref<416x128xi32, #tpu.memory_space<vmem>>, vector<16xi32>,
      %mul3A_549 = arith.constant 16 : i32
      %mul3A_550 = arith.muli %scan3A_19, %mul3A_549 : i32
      %add3A_551 = arith.constant 0 : i32
      %add3A_552 = arith.addi %mul3A_550, %add3A_551 : i32
      %add3A_553 = arith.constant 7 : i32
      %add3A_554 = arith.addi %add3A_552, %add3A_553 : i32
      %add3A_555 = arith.constant 896 : i32
      %add3A_556 = vector.broadcast %add3A_555 : i32 to vector<16xi32>
      %add3A_557 = arith.addi %add3A_464, %add3A_556 : vector<16xi32>
      %swap3A_558 = arith.index_cast %add3A_554 : i32 to index
      %swap3A_559 = arith.constant 32 : index
      %swap3A_560 = tpu.vector_load %arg6[%swap3A_558, %swap3A_559] {strides = array<i32>} : memref<416x128xi32, #tpu.memory_space<vmem>>, vector<16xi32>,
      tpu.vector_store %arg6[%swap3A_558, %swap3A_559], %add3A_557 {strides = array<i32>} : memref<416x128xi32, #tpu.memory_space<vmem>>, vector<16xi32>,
      %mul3A_561 = arith.constant 16 : i32
      %mul3A_562 = arith.muli %scan3A_19, %mul3A_561 : i32
      %add3A_563 = arith.constant 8 : i32
      %add3A_564 = arith.addi %mul3A_562, %add3A_563 : i32
      %add3A_565 = arith.constant 0 : i32
      %add3A_566 = arith.addi %add3A_564, %add3A_565 : i32
      %add3A_567 = arith.constant 8320000 : i32
      %add3A_568 = vector.broadcast %add3A_567 : i32 to vector<16xi32>
      %add3A_569 = arith.addi %add3A_464, %add3A_568 : vector<16xi32>
      %swap3A_570 = arith.index_cast %add3A_566 : i32 to index
      %swap3A_571 = arith.constant 32 : index
      %swap3A_572 = tpu.vector_load %arg6[%swap3A_570, %swap3A_571] {strides = array<i32>} : memref<416x128xi32, #tpu.memory_space<vmem>>, vector<16xi32>,
      tpu.vector_store %arg6[%swap3A_570, %swap3A_571], %add3A_569 {strides = array<i32>} : memref<416x128xi32, #tpu.memory_space<vmem>>, vector<16xi32>,
      %mul3A_573 = arith.constant 16 : i32
      %mul3A_574 = arith.muli %scan3A_19, %mul3A_573 : i32
      %add3A_575 = arith.constant 8 : i32
      %add3A_576 = arith.addi %mul3A_574, %add3A_575 : i32
      %add3A_577 = arith.constant 1 : i32
      %add3A_578 = arith.addi %add3A_576, %add3A_577 : i32
      %add3A_579 = arith.constant 8320128 : i32
      %add3A_580 = vector.broadcast %add3A_579 : i32 to vector<16xi32>
      %add3A_581 = arith.addi %add3A_464, %add3A_580 : vector<16xi32>
      %swap3A_582 = arith.index_cast %add3A_578 : i32 to index
      %swap3A_583 = arith.constant 32 : index
      %swap3A_584 = tpu.vector_load %arg6[%swap3A_582, %swap3A_583] {strides = array<i32>} : memref<416x128xi32, #tpu.memory_space<vmem>>, vector<16xi32>,
      tpu.vector_store %arg6[%swap3A_582, %swap3A_583], %add3A_581 {strides = array<i32>} : memref<416x128xi32, #tpu.memory_space<vmem>>, vector<16xi32>,
      %mul3A_585 = arith.constant 16 : i32
      %mul3A_586 = arith.muli %scan3A_19, %mul3A_585 : i32
      %add3A_587 = arith.constant 8 : i32
      %add3A_588 = arith.addi %mul3A_586, %add3A_587 : i32
      %add3A_589 = arith.constant 2 : i32
      %add3A_590 = arith.addi %add3A_588, %add3A_589 : i32
      %add3A_591 = arith.constant 8320256 : i32
      %add3A_592 = vector.broadcast %add3A_591 : i32 to vector<16xi32>
      %add3A_593 = arith.addi %add3A_464, %add3A_592 : vector<16xi32>
      %swap3A_594 = arith.index_cast %add3A_590 : i32 to index
      %swap3A_595 = arith.constant 32 : index
      %swap3A_596 = tpu.vector_load %arg6[%swap3A_594, %swap3A_595] {strides = array<i32>} : memref<416x128xi32, #tpu.memory_space<vmem>>, vector<16xi32>,
      tpu.vector_store %arg6[%swap3A_594, %swap3A_595], %add3A_593 {strides = array<i32>} : memref<416x128xi32, #tpu.memory_space<vmem>>, vector<16xi32>,
      %mul3A_597 = arith.constant 16 : i32
      %mul3A_598 = arith.muli %scan3A_19, %mul3A_597 : i32
      %add3A_599 = arith.constant 8 : i32
      %add3A_600 = arith.addi %mul3A_598, %add3A_599 : i32
      %add3A_601 = arith.constant 3 : i32
      %add3A_602 = arith.addi %add3A_600, %add3A_601 : i32
      %add3A_603 = arith.constant 8320384 : i32
      %add3A_604 = vector.broadcast %add3A_603 : i32 to vector<16xi32>
      %add3A_605 = arith.addi %add3A_464, %add3A_604 : vector<16xi32>
      %swap3A_606 = arith.index_cast %add3A_602 : i32 to index
      %swap3A_607 = arith.constant 32 : index
      %swap3A_608 = tpu.vector_load %arg6[%swap3A_606, %swap3A_607] {strides = array<i32>} : memref<416x128xi32, #tpu.memory_space<vmem>>, vector<16xi32>,
      tpu.vector_store %arg6[%swap3A_606, %swap3A_607], %add3A_605 {strides = array<i32>} : memref<416x128xi32, #tpu.memory_space<vmem>>, vector<16xi32>,
      %mul3A_609 = arith.constant 16 : i32
      %mul3A_610 = arith.muli %scan3A_19, %mul3A_609 : i32
      %add3A_611 = arith.constant 8 : i32
      %add3A_612 = arith.addi %mul3A_610, %add3A_611 : i32
      %add3A_613 = arith.constant 4 : i32
      %add3A_614 = arith.addi %add3A_612, %add3A_613 : i32
      %add3A_615 = arith.constant 8320512 : i32
      %add3A_616 = vector.broadcast %add3A_615 : i32 to vector<16xi32>
      %add3A_617 = arith.addi %add3A_464, %add3A_616 : vector<16xi32>
      %swap3A_618 = arith.index_cast %add3A_614 : i32 to index
      %swap3A_619 = arith.constant 32 : index
      %swap3A_620 = tpu.vector_load %arg6[%swap3A_618, %swap3A_619] {strides = array<i32>} : memref<416x128xi32, #tpu.memory_space<vmem>>, vector<16xi32>,
      tpu.vector_store %arg6[%swap3A_618, %swap3A_619], %add3A_617 {strides = array<i32>} : memref<416x128xi32, #tpu.memory_space<vmem>>, vector<16xi32>,
      %mul3A_621 = arith.constant 16 : i32
      %mul3A_622 = arith.muli %scan3A_19, %mul3A_621 : i32
      %add3A_623 = arith.constant 8 : i32
      %add3A_624 = arith.addi %mul3A_622, %add3A_623 : i32
      %add3A_625 = arith.constant 5 : i32
      %add3A_626 = arith.addi %add3A_624, %add3A_625 : i32
      %add3A_627 = arith.constant 8320640 : i32
      %add3A_628 = vector.broadcast %add3A_627 : i32 to vector<16xi32>
      %add3A_629 = arith.addi %add3A_464, %add3A_628 : vector<16xi32>
      %swap3A_630 = arith.index_cast %add3A_626 : i32 to index
      %swap3A_631 = arith.constant 32 : index
      %swap3A_632 = tpu.vector_load %arg6[%swap3A_630, %swap3A_631] {strides = array<i32>} : memref<416x128xi32, #tpu.memory_space<vmem>>, vector<16xi32>,
      tpu.vector_store %arg6[%swap3A_630, %swap3A_631], %add3A_629 {strides = array<i32>} : memref<416x128xi32, #tpu.memory_space<vmem>>, vector<16xi32>,
      %mul3A_633 = arith.constant 16 : i32
      %mul3A_634 = arith.muli %scan3A_19, %mul3A_633 : i32
      %add3A_635 = arith.constant 8 : i32
      %add3A_636 = arith.addi %mul3A_634, %add3A_635 : i32
      %add3A_637 = arith.constant 6 : i32
      %add3A_638 = arith.addi %add3A_636, %add3A_637 : i32
      %add3A_639 = arith.constant 8320768 : i32
      %add3A_640 = vector.broadcast %add3A_639 : i32 to vector<16xi32>
      %add3A_641 = arith.addi %add3A_464, %add3A_640 : vector<16xi32>
      %swap3A_642 = arith.index_cast %add3A_638 : i32 to index
      %swap3A_643 = arith.constant 32 : index
      %swap3A_644 = tpu.vector_load %arg6[%swap3A_642, %swap3A_643] {strides = array<i32>} : memref<416x128xi32, #tpu.memory_space<vmem>>, vector<16xi32>,
      tpu.vector_store %arg6[%swap3A_642, %swap3A_643], %add3A_641 {strides = array<i32>} : memref<416x128xi32, #tpu.memory_space<vmem>>, vector<16xi32>,
      %mul3A_645 = arith.constant 16 : i32
      %mul3A_646 = arith.muli %scan3A_19, %mul3A_645 : i32
      %add3A_647 = arith.constant 8 : i32
      %add3A_648 = arith.addi %mul3A_646, %add3A_647 : i32
      %add3A_649 = arith.constant 7 : i32
      %add3A_650 = arith.addi %add3A_648, %add3A_649 : i32
      %add3A_651 = arith.constant 8320896 : i32
      %add3A_652 = vector.broadcast %add3A_651 : i32 to vector<16xi32>
      %add3A_653 = arith.addi %add3A_464, %add3A_652 : vector<16xi32>
      %swap3A_654 = arith.index_cast %add3A_650 : i32 to index
      %swap3A_655 = arith.constant 32 : index
      %swap3A_656 = tpu.vector_load %arg6[%swap3A_654, %swap3A_655] {strides = array<i32>} : memref<416x128xi32, #tpu.memory_space<vmem>>, vector<16xi32>,
      tpu.vector_store %arg6[%swap3A_654, %swap3A_655], %add3A_653 {strides = array<i32>} : memref<416x128xi32, #tpu.memory_space<vmem>>, vector<16xi32>,
      %add3A_657 = arith.constant 48 : i32
      %add3A_658 = vector.broadcast %add3A_657 : i32 to vector<16xi32>
      %add3A_659 = arith.addi %add3A_658, %iota3A : vector<16xi32>
      %mul3A_660 = arith.constant 26 : i32
      %mul3A_661 = vector.broadcast %mul3A_660 : i32 to vector<16xi32>
      %mul3A_662 = arith.muli %add3A_659, %mul3A_661 : vector<16xi32>
      %add3A_663 = vector.broadcast %scan3A_19 : i32 to vector<16xi32>
      %add3A_664 = arith.addi %mul3A_662, %add3A_663 : vector<16xi32>
      %gather3A_665 = tpu.vector_load_idx %arg5[%add3A_664] : memref<3328xi32, #tpu.memory_space<vmem>>[vector<16xi32>], vector<16xi32>,
      %add3A_666 = vector.broadcast %mul3A_21 : i32 to vector<16xi32>
      %add3A_667 = arith.addi %gather3A_665, %add3A_666 : vector<16xi32>
      %shift_right_logical3A_668 = arith.constant 7 : i32
      %shift_right_logical3A_669 = vector.broadcast %shift_right_logical3A_668 : i32 to vector<16xi32>
      %shift_right_logical3A_670 = arith.shrui %add3A_667, %shift_right_logical3A_669 : vector<16xi32>
      %mul3A_671 = arith.constant 1024 : i32
      %mul3A_672 = vector.broadcast %mul3A_671 : i32 to vector<16xi32>
      %mul3A_673 = arith.muli %shift_right_logical3A_670, %mul3A_672 : vector<16xi32>
      %and3A_674 = arith.constant 127 : i32
      %and3A_675 = vector.broadcast %and3A_674 : i32 to vector<16xi32>
      %and3A_676 = arith.andi %add3A_667, %and3A_675 : vector<16xi32>
      %add3A_677 = arith.addi %mul3A_673, %and3A_676 : vector<16xi32>
      %mul3A_678 = arith.constant 16 : i32
      %mul3A_679 = arith.muli %scan3A_19, %mul3A_678 : i32
      %add3A_680 = arith.constant 0 : i32
      %add3A_681 = arith.addi %mul3A_679, %add3A_680 : i32
      %add3A_682 = arith.constant 0 : i32
      %add3A_683 = arith.addi %add3A_681, %add3A_682 : i32
      %add3A_684 = arith.constant 0 : i32
      %add3A_685 = vector.broadcast %add3A_684 : i32 to vector<16xi32>
      %add3A_686 = arith.addi %add3A_677, %add3A_685 : vector<16xi32>
      %swap3A_687 = arith.index_cast %add3A_683 : i32 to index
      %swap3A_688 = arith.constant 48 : index
      %swap3A_689 = tpu.vector_load %arg6[%swap3A_687, %swap3A_688] {strides = array<i32>} : memref<416x128xi32, #tpu.memory_space<vmem>>, vector<16xi32>,
      tpu.vector_store %arg6[%swap3A_687, %swap3A_688], %add3A_686 {strides = array<i32>} : memref<416x128xi32, #tpu.memory_space<vmem>>, vector<16xi32>,
      %mul3A_690 = arith.constant 16 : i32
      %mul3A_691 = arith.muli %scan3A_19, %mul3A_690 : i32
      %add3A_692 = arith.constant 0 : i32
      %add3A_693 = arith.addi %mul3A_691, %add3A_692 : i32
      %add3A_694 = arith.constant 1 : i32
      %add3A_695 = arith.addi %add3A_693, %add3A_694 : i32
      %add3A_696 = arith.constant 128 : i32
      %add3A_697 = vector.broadcast %add3A_696 : i32 to vector<16xi32>
      %add3A_698 = arith.addi %add3A_677, %add3A_697 : vector<16xi32>
      %swap3A_699 = arith.index_cast %add3A_695 : i32 to index
      %swap3A_700 = arith.constant 48 : index
      %swap3A_701 = tpu.vector_load %arg6[%swap3A_699, %swap3A_700] {strides = array<i32>} : memref<416x128xi32, #tpu.memory_space<vmem>>, vector<16xi32>,
      tpu.vector_store %arg6[%swap3A_699, %swap3A_700], %add3A_698 {strides = array<i32>} : memref<416x128xi32, #tpu.memory_space<vmem>>, vector<16xi32>,
      %mul3A_702 = arith.constant 16 : i32
      %mul3A_703 = arith.muli %scan3A_19, %mul3A_702 : i32
      %add3A_704 = arith.constant 0 : i32
      %add3A_705 = arith.addi %mul3A_703, %add3A_704 : i32
      %add3A_706 = arith.constant 2 : i32
      %add3A_707 = arith.addi %add3A_705, %add3A_706 : i32
      %add3A_708 = arith.constant 256 : i32
      %add3A_709 = vector.broadcast %add3A_708 : i32 to vector<16xi32>
      %add3A_710 = arith.addi %add3A_677, %add3A_709 : vector<16xi32>
      %swap3A_711 = arith.index_cast %add3A_707 : i32 to index
      %swap3A_712 = arith.constant 48 : index
      %swap3A_713 = tpu.vector_load %arg6[%swap3A_711, %swap3A_712] {strides = array<i32>} : memref<416x128xi32, #tpu.memory_space<vmem>>, vector<16xi32>,
      tpu.vector_store %arg6[%swap3A_711, %swap3A_712], %add3A_710 {strides = array<i32>} : memref<416x128xi32, #tpu.memory_space<vmem>>, vector<16xi32>,
      %mul3A_714 = arith.constant 16 : i32
      %mul3A_715 = arith.muli %scan3A_19, %mul3A_714 : i32
      %add3A_716 = arith.constant 0 : i32
      %add3A_717 = arith.addi %mul3A_715, %add3A_716 : i32
      %add3A_718 = arith.constant 3 : i32
      %add3A_719 = arith.addi %add3A_717, %add3A_718 : i32
      %add3A_720 = arith.constant 384 : i32
      %add3A_721 = vector.broadcast %add3A_720 : i32 to vector<16xi32>
      %add3A_722 = arith.addi %add3A_677, %add3A_721 : vector<16xi32>
      %swap3A_723 = arith.index_cast %add3A_719 : i32 to index
      %swap3A_724 = arith.constant 48 : index
      %swap3A_725 = tpu.vector_load %arg6[%swap3A_723, %swap3A_724] {strides = array<i32>} : memref<416x128xi32, #tpu.memory_space<vmem>>, vector<16xi32>,
      tpu.vector_store %arg6[%swap3A_723, %swap3A_724], %add3A_722 {strides = array<i32>} : memref<416x128xi32, #tpu.memory_space<vmem>>, vector<16xi32>,
      %mul3A_726 = arith.constant 16 : i32
      %mul3A_727 = arith.muli %scan3A_19, %mul3A_726 : i32
      %add3A_728 = arith.constant 0 : i32
      %add3A_729 = arith.addi %mul3A_727, %add3A_728 : i32
      %add3A_730 = arith.constant 4 : i32
      %add3A_731 = arith.addi %add3A_729, %add3A_730 : i32
      %add3A_732 = arith.constant 512 : i32
      %add3A_733 = vector.broadcast %add3A_732 : i32 to vector<16xi32>
      %add3A_734 = arith.addi %add3A_677, %add3A_733 : vector<16xi32>
      %swap3A_735 = arith.index_cast %add3A_731 : i32 to index
      %swap3A_736 = arith.constant 48 : index
      %swap3A_737 = tpu.vector_load %arg6[%swap3A_735, %swap3A_736] {strides = array<i32>} : memref<416x128xi32, #tpu.memory_space<vmem>>, vector<16xi32>,
      tpu.vector_store %arg6[%swap3A_735, %swap3A_736], %add3A_734 {strides = array<i32>} : memref<416x128xi32, #tpu.memory_space<vmem>>, vector<16xi32>,
      %mul3A_738 = arith.constant 16 : i32
      %mul3A_739 = arith.muli %scan3A_19, %mul3A_738 : i32
      %add3A_740 = arith.constant 0 : i32
      %add3A_741 = arith.addi %mul3A_739, %add3A_740 : i32
      %add3A_742 = arith.constant 5 : i32
      %add3A_743 = arith.addi %add3A_741, %add3A_742 : i32
      %add3A_744 = arith.constant 640 : i32
      %add3A_745 = vector.broadcast %add3A_744 : i32 to vector<16xi32>
      %add3A_746 = arith.addi %add3A_677, %add3A_745 : vector<16xi32>
      %swap3A_747 = arith.index_cast %add3A_743 : i32 to index
      %swap3A_748 = arith.constant 48 : index
      %swap3A_749 = tpu.vector_load %arg6[%swap3A_747, %swap3A_748] {strides = array<i32>} : memref<416x128xi32, #tpu.memory_space<vmem>>, vector<16xi32>,
      tpu.vector_store %arg6[%swap3A_747, %swap3A_748], %add3A_746 {strides = array<i32>} : memref<416x128xi32, #tpu.memory_space<vmem>>, vector<16xi32>,
      %mul3A_750 = arith.constant 16 : i32
      %mul3A_751 = arith.muli %scan3A_19, %mul3A_750 : i32
      %add3A_752 = arith.constant 0 : i32
      %add3A_753 = arith.addi %mul3A_751, %add3A_752 : i32
      %add3A_754 = arith.constant 6 : i32
      %add3A_755 = arith.addi %add3A_753, %add3A_754 : i32
      %add3A_756 = arith.constant 768 : i32
      %add3A_757 = vector.broadcast %add3A_756 : i32 to vector<16xi32>
      %add3A_758 = arith.addi %add3A_677, %add3A_757 : vector<16xi32>
      %swap3A_759 = arith.index_cast %add3A_755 : i32 to index
      %swap3A_760 = arith.constant 48 : index
      %swap3A_761 = tpu.vector_load %arg6[%swap3A_759, %swap3A_760] {strides = array<i32>} : memref<416x128xi32, #tpu.memory_space<vmem>>, vector<16xi32>,
      tpu.vector_store %arg6[%swap3A_759, %swap3A_760], %add3A_758 {strides = array<i32>} : memref<416x128xi32, #tpu.memory_space<vmem>>, vector<16xi32>,
      %mul3A_762 = arith.constant 16 : i32
      %mul3A_763 = arith.muli %scan3A_19, %mul3A_762 : i32
      %add3A_764 = arith.constant 0 : i32
      %add3A_765 = arith.addi %mul3A_763, %add3A_764 : i32
      %add3A_766 = arith.constant 7 : i32
      %add3A_767 = arith.addi %add3A_765, %add3A_766 : i32
      %add3A_768 = arith.constant 896 : i32
      %add3A_769 = vector.broadcast %add3A_768 : i32 to vector<16xi32>
      %add3A_770 = arith.addi %add3A_677, %add3A_769 : vector<16xi32>
      %swap3A_771 = arith.index_cast %add3A_767 : i32 to index
      %swap3A_772 = arith.constant 48 : index
      %swap3A_773 = tpu.vector_load %arg6[%swap3A_771, %swap3A_772] {strides = array<i32>} : memref<416x128xi32, #tpu.memory_space<vmem>>, vector<16xi32>,
      tpu.vector_store %arg6[%swap3A_771, %swap3A_772], %add3A_770 {strides = array<i32>} : memref<416x128xi32, #tpu.memory_space<vmem>>, vector<16xi32>,
      %mul3A_774 = arith.constant 16 : i32
      %mul3A_775 = arith.muli %scan3A_19, %mul3A_774 : i32
      %add3A_776 = arith.constant 8 : i32
      %add3A_777 = arith.addi %mul3A_775, %add3A_776 : i32
      %add3A_778 = arith.constant 0 : i32
      %add3A_779 = arith.addi %add3A_777, %add3A_778 : i32
      %add3A_780 = arith.constant 8320000 : i32
      %add3A_781 = vector.broadcast %add3A_780 : i32 to vector<16xi32>
      %add3A_782 = arith.addi %add3A_677, %add3A_781 : vector<16xi32>
      %swap3A_783 = arith.index_cast %add3A_779 : i32 to index
      %swap3A_784 = arith.constant 48 : index
      %swap3A_785 = tpu.vector_load %arg6[%swap3A_783, %swap3A_784] {strides = array<i32>} : memref<416x128xi32, #tpu.memory_space<vmem>>, vector<16xi32>,
      tpu.vector_store %arg6[%swap3A_783, %swap3A_784], %add3A_782 {strides = array<i32>} : memref<416x128xi32, #tpu.memory_space<vmem>>, vector<16xi32>,
      %mul3A_786 = arith.constant 16 : i32
      %mul3A_787 = arith.muli %scan3A_19, %mul3A_786 : i32
      %add3A_788 = arith.constant 8 : i32
      %add3A_789 = arith.addi %mul3A_787, %add3A_788 : i32
      %add3A_790 = arith.constant 1 : i32
      %add3A_791 = arith.addi %add3A_789, %add3A_790 : i32
      %add3A_792 = arith.constant 8320128 : i32
      %add3A_793 = vector.broadcast %add3A_792 : i32 to vector<16xi32>
      %add3A_794 = arith.addi %add3A_677, %add3A_793 : vector<16xi32>
      %swap3A_795 = arith.index_cast %add3A_791 : i32 to index
      %swap3A_796 = arith.constant 48 : index
      %swap3A_797 = tpu.vector_load %arg6[%swap3A_795, %swap3A_796] {strides = array<i32>} : memref<416x128xi32, #tpu.memory_space<vmem>>, vector<16xi32>,
      tpu.vector_store %arg6[%swap3A_795, %swap3A_796], %add3A_794 {strides = array<i32>} : memref<416x128xi32, #tpu.memory_space<vmem>>, vector<16xi32>,
      %mul3A_798 = arith.constant 16 : i32
      %mul3A_799 = arith.muli %scan3A_19, %mul3A_798 : i32
      %add3A_800 = arith.constant 8 : i32
      %add3A_801 = arith.addi %mul3A_799, %add3A_800 : i32
      %add3A_802 = arith.constant 2 : i32
      %add3A_803 = arith.addi %add3A_801, %add3A_802 : i32
      %add3A_804 = arith.constant 8320256 : i32
      %add3A_805 = vector.broadcast %add3A_804 : i32 to vector<16xi32>
      %add3A_806 = arith.addi %add3A_677, %add3A_805 : vector<16xi32>
      %swap3A_807 = arith.index_cast %add3A_803 : i32 to index
      %swap3A_808 = arith.constant 48 : index
      %swap3A_809 = tpu.vector_load %arg6[%swap3A_807, %swap3A_808] {strides = array<i32>} : memref<416x128xi32, #tpu.memory_space<vmem>>, vector<16xi32>,
      tpu.vector_store %arg6[%swap3A_807, %swap3A_808], %add3A_806 {strides = array<i32>} : memref<416x128xi32, #tpu.memory_space<vmem>>, vector<16xi32>,
      %mul3A_810 = arith.constant 16 : i32
      %mul3A_811 = arith.muli %scan3A_19, %mul3A_810 : i32
      %add3A_812 = arith.constant 8 : i32
      %add3A_813 = arith.addi %mul3A_811, %add3A_812 : i32
      %add3A_814 = arith.constant 3 : i32
      %add3A_815 = arith.addi %add3A_813, %add3A_814 : i32
      %add3A_816 = arith.constant 8320384 : i32
      %add3A_817 = vector.broadcast %add3A_816 : i32 to vector<16xi32>
      %add3A_818 = arith.addi %add3A_677, %add3A_817 : vector<16xi32>
      %swap3A_819 = arith.index_cast %add3A_815 : i32 to index
      %swap3A_820 = arith.constant 48 : index
      %swap3A_821 = tpu.vector_load %arg6[%swap3A_819, %swap3A_820] {strides = array<i32>} : memref<416x128xi32, #tpu.memory_space<vmem>>, vector<16xi32>,
      tpu.vector_store %arg6[%swap3A_819, %swap3A_820], %add3A_818 {strides = array<i32>} : memref<416x128xi32, #tpu.memory_space<vmem>>, vector<16xi32>,
      %mul3A_822 = arith.constant 16 : i32
      %mul3A_823 = arith.muli %scan3A_19, %mul3A_822 : i32
      %add3A_824 = arith.constant 8 : i32
      %add3A_825 = arith.addi %mul3A_823, %add3A_824 : i32
      %add3A_826 = arith.constant 4 : i32
      %add3A_827 = arith.addi %add3A_825, %add3A_826 : i32
      %add3A_828 = arith.constant 8320512 : i32
      %add3A_829 = vector.broadcast %add3A_828 : i32 to vector<16xi32>
      %add3A_830 = arith.addi %add3A_677, %add3A_829 : vector<16xi32>
      %swap3A_831 = arith.index_cast %add3A_827 : i32 to index
      %swap3A_832 = arith.constant 48 : index
      %swap3A_833 = tpu.vector_load %arg6[%swap3A_831, %swap3A_832] {strides = array<i32>} : memref<416x128xi32, #tpu.memory_space<vmem>>, vector<16xi32>,
      tpu.vector_store %arg6[%swap3A_831, %swap3A_832], %add3A_830 {strides = array<i32>} : memref<416x128xi32, #tpu.memory_space<vmem>>, vector<16xi32>,
      %mul3A_834 = arith.constant 16 : i32
      %mul3A_835 = arith.muli %scan3A_19, %mul3A_834 : i32
      %add3A_836 = arith.constant 8 : i32
      %add3A_837 = arith.addi %mul3A_835, %add3A_836 : i32
      %add3A_838 = arith.constant 5 : i32
      %add3A_839 = arith.addi %add3A_837, %add3A_838 : i32
      %add3A_840 = arith.constant 8320640 : i32
      %add3A_841 = vector.broadcast %add3A_840 : i32 to vector<16xi32>
      %add3A_842 = arith.addi %add3A_677, %add3A_841 : vector<16xi32>
      %swap3A_843 = arith.index_cast %add3A_839 : i32 to index
      %swap3A_844 = arith.constant 48 : index
      %swap3A_845 = tpu.vector_load %arg6[%swap3A_843, %swap3A_844] {strides = array<i32>} : memref<416x128xi32, #tpu.memory_space<vmem>>, vector<16xi32>,
      tpu.vector_store %arg6[%swap3A_843, %swap3A_844], %add3A_842 {strides = array<i32>} : memref<416x128xi32, #tpu.memory_space<vmem>>, vector<16xi32>,
      %mul3A_846 = arith.constant 16 : i32
      %mul3A_847 = arith.muli %scan3A_19, %mul3A_846 : i32
      %add3A_848 = arith.constant 8 : i32
      %add3A_849 = arith.addi %mul3A_847, %add3A_848 : i32
      %add3A_850 = arith.constant 6 : i32
      %add3A_851 = arith.addi %add3A_849, %add3A_850 : i32
      %add3A_852 = arith.constant 8320768 : i32
      %add3A_853 = vector.broadcast %add3A_852 : i32 to vector<16xi32>
      %add3A_854 = arith.addi %add3A_677, %add3A_853 : vector<16xi32>
      %swap3A_855 = arith.index_cast %add3A_851 : i32 to index
      %swap3A_856 = arith.constant 48 : index
      %swap3A_857 = tpu.vector_load %arg6[%swap3A_855, %swap3A_856] {strides = array<i32>} : memref<416x128xi32, #tpu.memory_space<vmem>>, vector<16xi32>,
      tpu.vector_store %arg6[%swap3A_855, %swap3A_856], %add3A_854 {strides = array<i32>} : memref<416x128xi32, #tpu.memory_space<vmem>>, vector<16xi32>,
      %mul3A_858 = arith.constant 16 : i32
      %mul3A_859 = arith.muli %scan3A_19, %mul3A_858 : i32
      %add3A_860 = arith.constant 8 : i32
      %add3A_861 = arith.addi %mul3A_859, %add3A_860 : i32
      %add3A_862 = arith.constant 7 : i32
      %add3A_863 = arith.addi %add3A_861, %add3A_862 : i32
      %add3A_864 = arith.constant 8320896 : i32
      %add3A_865 = vector.broadcast %add3A_864 : i32 to vector<16xi32>
      %add3A_866 = arith.addi %add3A_677, %add3A_865 : vector<16xi32>
      %swap3A_867 = arith.index_cast %add3A_863 : i32 to index
      %swap3A_868 = arith.constant 48 : index
      %swap3A_869 = tpu.vector_load %arg6[%swap3A_867, %swap3A_868] {strides = array<i32>} : memref<416x128xi32, #tpu.memory_space<vmem>>, vector<16xi32>,
      tpu.vector_store %arg6[%swap3A_867, %swap3A_868], %add3A_866 {strides = array<i32>} : memref<416x128xi32, #tpu.memory_space<vmem>>, vector<16xi32>,
      %add3A_870 = arith.constant 64 : i32
      %add3A_871 = vector.broadcast %add3A_870 : i32 to vector<16xi32>
      %add3A_872 = arith.addi %add3A_871, %iota3A : vector<16xi32>
      %mul3A_873 = arith.constant 26 : i32
      %mul3A_874 = vector.broadcast %mul3A_873 : i32 to vector<16xi32>
      %mul3A_875 = arith.muli %add3A_872, %mul3A_874 : vector<16xi32>
      %add3A_876 = vector.broadcast %scan3A_19 : i32 to vector<16xi32>
      %add3A_877 = arith.addi %mul3A_875, %add3A_876 : vector<16xi32>
      %gather3A_878 = tpu.vector_load_idx %arg5[%add3A_877] : memref<3328xi32, #tpu.memory_space<vmem>>[vector<16xi32>], vector<16xi32>,
      %add3A_879 = vector.broadcast %mul3A_21 : i32 to vector<16xi32>
      %add3A_880 = arith.addi %gather3A_878, %add3A_879 : vector<16xi32>
      %shift_right_logical3A_881 = arith.constant 7 : i32
      %shift_right_logical3A_882 = vector.broadcast %shift_right_logical3A_881 : i32 to vector<16xi32>
      %shift_right_logical3A_883 = arith.shrui %add3A_880, %shift_right_logical3A_882 : vector<16xi32>
      %mul3A_884 = arith.constant 1024 : i32
      %mul3A_885 = vector.broadcast %mul3A_884 : i32 to vector<16xi32>
      %mul3A_886 = arith.muli %shift_right_logical3A_883, %mul3A_885 : vector<16xi32>
      %and3A_887 = arith.constant 127 : i32
      %and3A_888 = vector.broadcast %and3A_887 : i32 to vector<16xi32>
      %and3A_889 = arith.andi %add3A_880, %and3A_888 : vector<16xi32>
      %add3A_890 = arith.addi %mul3A_886, %and3A_889 : vector<16xi32>
      %mul3A_891 = arith.constant 16 : i32
      %mul3A_892 = arith.muli %scan3A_19, %mul3A_891 : i32
      %add3A_893 = arith.constant 0 : i32
      %add3A_894 = arith.addi %mul3A_892, %add3A_893 : i32
      %add3A_895 = arith.constant 0 : i32
      %add3A_896 = arith.addi %add3A_894, %add3A_895 : i32
      %add3A_897 = arith.constant 0 : i32
      %add3A_898 = vector.broadcast %add3A_897 : i32 to vector<16xi32>
      %add3A_899 = arith.addi %add3A_890, %add3A_898 : vector<16xi32>
      %swap3A_900 = arith.index_cast %add3A_896 : i32 to index
      %swap3A_901 = arith.constant 64 : index
      %swap3A_902 = tpu.vector_load %arg6[%swap3A_900, %swap3A_901] {strides = array<i32>} : memref<416x128xi32, #tpu.memory_space<vmem>>, vector<16xi32>,
      tpu.vector_store %arg6[%swap3A_900, %swap3A_901], %add3A_899 {strides = array<i32>} : memref<416x128xi32, #tpu.memory_space<vmem>>, vector<16xi32>,
      %mul3A_903 = arith.constant 16 : i32
      %mul3A_904 = arith.muli %scan3A_19, %mul3A_903 : i32
      %add3A_905 = arith.constant 0 : i32
      %add3A_906 = arith.addi %mul3A_904, %add3A_905 : i32
      %add3A_907 = arith.constant 1 : i32
      %add3A_908 = arith.addi %add3A_906, %add3A_907 : i32
      %add3A_909 = arith.constant 128 : i32
      %add3A_910 = vector.broadcast %add3A_909 : i32 to vector<16xi32>
      %add3A_911 = arith.addi %add3A_890, %add3A_910 : vector<16xi32>
      %swap3A_912 = arith.index_cast %add3A_908 : i32 to index
      %swap3A_913 = arith.constant 64 : index
      %swap3A_914 = tpu.vector_load %arg6[%swap3A_912, %swap3A_913] {strides = array<i32>} : memref<416x128xi32, #tpu.memory_space<vmem>>, vector<16xi32>,
      tpu.vector_store %arg6[%swap3A_912, %swap3A_913], %add3A_911 {strides = array<i32>} : memref<416x128xi32, #tpu.memory_space<vmem>>, vector<16xi32>,
      %mul3A_915 = arith.constant 16 : i32
      %mul3A_916 = arith.muli %scan3A_19, %mul3A_915 : i32
      %add3A_917 = arith.constant 0 : i32
      %add3A_918 = arith.addi %mul3A_916, %add3A_917 : i32
      %add3A_919 = arith.constant 2 : i32
      %add3A_920 = arith.addi %add3A_918, %add3A_919 : i32
      %add3A_921 = arith.constant 256 : i32
      %add3A_922 = vector.broadcast %add3A_921 : i32 to vector<16xi32>
      %add3A_923 = arith.addi %add3A_890, %add3A_922 : vector<16xi32>
      %swap3A_924 = arith.index_cast %add3A_920 : i32 to index
      %swap3A_925 = arith.constant 64 : index
      %swap3A_926 = tpu.vector_load %arg6[%swap3A_924, %swap3A_925] {strides = array<i32>} : memref<416x128xi32, #tpu.memory_space<vmem>>, vector<16xi32>,
      tpu.vector_store %arg6[%swap3A_924, %swap3A_925], %add3A_923 {strides = array<i32>} : memref<416x128xi32, #tpu.memory_space<vmem>>, vector<16xi32>,
      %mul3A_927 = arith.constant 16 : i32
      %mul3A_928 = arith.muli %scan3A_19, %mul3A_927 : i32
      %add3A_929 = arith.constant 0 : i32
      %add3A_930 = arith.addi %mul3A_928, %add3A_929 : i32
      %add3A_931 = arith.constant 3 : i32
      %add3A_932 = arith.addi %add3A_930, %add3A_931 : i32
      %add3A_933 = arith.constant 384 : i32
      %add3A_934 = vector.broadcast %add3A_933 : i32 to vector<16xi32>
      %add3A_935 = arith.addi %add3A_890, %add3A_934 : vector<16xi32>
      %swap3A_936 = arith.index_cast %add3A_932 : i32 to index
      %swap3A_937 = arith.constant 64 : index
      %swap3A_938 = tpu.vector_load %arg6[%swap3A_936, %swap3A_937] {strides = array<i32>} : memref<416x128xi32, #tpu.memory_space<vmem>>, vector<16xi32>,
      tpu.vector_store %arg6[%swap3A_936, %swap3A_937], %add3A_935 {strides = array<i32>} : memref<416x128xi32, #tpu.memory_space<vmem>>, vector<16xi32>,
      %mul3A_939 = arith.constant 16 : i32
      %mul3A_940 = arith.muli %scan3A_19, %mul3A_939 : i32
      %add3A_941 = arith.constant 0 : i32
      %add3A_942 = arith.addi %mul3A_940, %add3A_941 : i32
      %add3A_943 = arith.constant 4 : i32
      %add3A_944 = arith.addi %add3A_942, %add3A_943 : i32
      %add3A_945 = arith.constant 512 : i32
      %add3A_946 = vector.broadcast %add3A_945 : i32 to vector<16xi32>
      %add3A_947 = arith.addi %add3A_890, %add3A_946 : vector<16xi32>
      %swap3A_948 = arith.index_cast %add3A_944 : i32 to index
      %swap3A_949 = arith.constant 64 : index
      %swap3A_950 = tpu.vector_load %arg6[%swap3A_948, %swap3A_949] {strides = array<i32>} : memref<416x128xi32, #tpu.memory_space<vmem>>, vector<16xi32>,
      tpu.vector_store %arg6[%swap3A_948, %swap3A_949], %add3A_947 {strides = array<i32>} : memref<416x128xi32, #tpu.memory_space<vmem>>, vector<16xi32>,
      %mul3A_951 = arith.constant 16 : i32
      %mul3A_952 = arith.muli %scan3A_19, %mul3A_951 : i32
      %add3A_953 = arith.constant 0 : i32
      %add3A_954 = arith.addi %mul3A_952, %add3A_953 : i32
      %add3A_955 = arith.constant 5 : i32
      %add3A_956 = arith.addi %add3A_954, %add3A_955 : i32
      %add3A_957 = arith.constant 640 : i32
      %add3A_958 = vector.broadcast %add3A_957 : i32 to vector<16xi32>
      %add3A_959 = arith.addi %add3A_890, %add3A_958 : vector<16xi32>
      %swap3A_960 = arith.index_cast %add3A_956 : i32 to index
      %swap3A_961 = arith.constant 64 : index
      %swap3A_962 = tpu.vector_load %arg6[%swap3A_960, %swap3A_961] {strides = array<i32>} : memref<416x128xi32, #tpu.memory_space<vmem>>, vector<16xi32>,
      tpu.vector_store %arg6[%swap3A_960, %swap3A_961], %add3A_959 {strides = array<i32>} : memref<416x128xi32, #tpu.memory_space<vmem>>, vector<16xi32>,
      %mul3A_963 = arith.constant 16 : i32
      %mul3A_964 = arith.muli %scan3A_19, %mul3A_963 : i32
      %add3A_965 = arith.constant 0 : i32
      %add3A_966 = arith.addi %mul3A_964, %add3A_965 : i32
      %add3A_967 = arith.constant 6 : i32
      %add3A_968 = arith.addi %add3A_966, %add3A_967 : i32
      %add3A_969 = arith.constant 768 : i32
      %add3A_970 = vector.broadcast %add3A_969 : i32 to vector<16xi32>
      %add3A_971 = arith.addi %add3A_890, %add3A_970 : vector<16xi32>
      %swap3A_972 = arith.index_cast %add3A_968 : i32 to index
      %swap3A_973 = arith.constant 64 : index
      %swap3A_974 = tpu.vector_load %arg6[%swap3A_972, %swap3A_973] {strides = array<i32>} : memref<416x128xi32, #tpu.memory_space<vmem>>, vector<16xi32>,
      tpu.vector_store %arg6[%swap3A_972, %swap3A_973], %add3A_971 {strides = array<i32>} : memref<416x128xi32, #tpu.memory_space<vmem>>, vector<16xi32>,
      %mul3A_975 = arith.constant 16 : i32
      %mul3A_976 = arith.muli %scan3A_19, %mul3A_975 : i32
      %add3A_977 = arith.constant 0 : i32
      %add3A_978 = arith.addi %mul3A_976, %add3A_977 : i32
      %add3A_979 = arith.constant 7 : i32
      %add3A_980 = arith.addi %add3A_978, %add3A_979 : i32
      %add3A_981 = arith.constant 896 : i32
      %add3A_982 = vector.broadcast %add3A_981 : i32 to vector<16xi32>
      %add3A_983 = arith.addi %add3A_890, %add3A_982 : vector<16xi32>
      %swap3A_984 = arith.index_cast %add3A_980 : i32 to index
      %swap3A_985 = arith.constant 64 : index
      %swap3A_986 = tpu.vector_load %arg6[%swap3A_984, %swap3A_985] {strides = array<i32>} : memref<416x128xi32, #tpu.memory_space<vmem>>, vector<16xi32>,
      tpu.vector_store %arg6[%swap3A_984, %swap3A_985], %add3A_983 {strides = array<i32>} : memref<416x128xi32, #tpu.memory_space<vmem>>, vector<16xi32>,
      %mul3A_987 = arith.constant 16 : i32
      %mul3A_988 = arith.muli %scan3A_19, %mul3A_987 : i32
      %add3A_989 = arith.constant 8 : i32
      %add3A_990 = arith.addi %mul3A_988, %add3A_989 : i32
      %add3A_991 = arith.constant 0 : i32
      %add3A_992 = arith.addi %add3A_990, %add3A_991 : i32
      %add3A_993 = arith.constant 8320000 : i32
      %add3A_994 = vector.broadcast %add3A_993 : i32 to vector<16xi32>
      %add3A_995 = arith.addi %add3A_890, %add3A_994 : vector<16xi32>
      %swap3A_996 = arith.index_cast %add3A_992 : i32 to index
      %swap3A_997 = arith.constant 64 : index
      %swap3A_998 = tpu.vector_load %arg6[%swap3A_996, %swap3A_997] {strides = array<i32>} : memref<416x128xi32, #tpu.memory_space<vmem>>, vector<16xi32>,
      tpu.vector_store %arg6[%swap3A_996, %swap3A_997], %add3A_995 {strides = array<i32>} : memref<416x128xi32, #tpu.memory_space<vmem>>, vector<16xi32>,
      %mul3A_999 = arith.constant 16 : i32
      %mul3A_1000 = arith.muli %scan3A_19, %mul3A_999 : i32
      %add3A_1001 = arith.constant 8 : i32
      %add3A_1002 = arith.addi %mul3A_1000, %add3A_1001 : i32
      %add3A_1003 = arith.constant 1 : i32
      %add3A_1004 = arith.addi %add3A_1002, %add3A_1003 : i32
      %add3A_1005 = arith.constant 8320128 : i32
      %add3A_1006 = vector.broadcast %add3A_1005 : i32 to vector<16xi32>
      %add3A_1007 = arith.addi %add3A_890, %add3A_1006 : vector<16xi32>
      %swap3A_1008 = arith.index_cast %add3A_1004 : i32 to index
      %swap3A_1009 = arith.constant 64 : index
      %swap3A_1010 = tpu.vector_load %arg6[%swap3A_1008, %swap3A_1009] {strides = array<i32>} : memref<416x128xi32, #tpu.memory_space<vmem>>, vector<16xi32>,
      tpu.vector_store %arg6[%swap3A_1008, %swap3A_1009], %add3A_1007 {strides = array<i32>} : memref<416x128xi32, #tpu.memory_space<vmem>>, vector<16xi32>,
      %mul3A_1011 = arith.constant 16 : i32
      %mul3A_1012 = arith.muli %scan3A_19, %mul3A_1011 : i32
      %add3A_1013 = arith.constant 8 : i32
      %add3A_1014 = arith.addi %mul3A_1012, %add3A_1013 : i32
      %add3A_1015 = arith.constant 2 : i32
      %add3A_1016 = arith.addi %add3A_1014, %add3A_1015 : i32
      %add3A_1017 = arith.constant 8320256 : i32
      %add3A_1018 = vector.broadcast %add3A_1017 : i32 to vector<16xi32>
      %add3A_1019 = arith.addi %add3A_890, %add3A_1018 : vector<16xi32>
      %swap3A_1020 = arith.index_cast %add3A_1016 : i32 to index
      %swap3A_1021 = arith.constant 64 : index
      %swap3A_1022 = tpu.vector_load %arg6[%swap3A_1020, %swap3A_1021] {strides = array<i32>} : memref<416x128xi32, #tpu.memory_space<vmem>>, vector<16xi32>,
      tpu.vector_store %arg6[%swap3A_1020, %swap3A_1021], %add3A_1019 {strides = array<i32>} : memref<416x128xi32, #tpu.memory_space<vmem>>, vector<16xi32>,
      %mul3A_1023 = arith.constant 16 : i32
      %mul3A_1024 = arith.muli %scan3A_19, %mul3A_1023 : i32
      %add3A_1025 = arith.constant 8 : i32
      %add3A_1026 = arith.addi %mul3A_1024, %add3A_1025 : i32
      %add3A_1027 = arith.constant 3 : i32
      %add3A_1028 = arith.addi %add3A_1026, %add3A_1027 : i32
      %add3A_1029 = arith.constant 8320384 : i32
      %add3A_1030 = vector.broadcast %add3A_1029 : i32 to vector<16xi32>
      %add3A_1031 = arith.addi %add3A_890, %add3A_1030 : vector<16xi32>
      %swap3A_1032 = arith.index_cast %add3A_1028 : i32 to index
      %swap3A_1033 = arith.constant 64 : index
      %swap3A_1034 = tpu.vector_load %arg6[%swap3A_1032, %swap3A_1033] {strides = array<i32>} : memref<416x128xi32, #tpu.memory_space<vmem>>, vector<16xi32>,
      tpu.vector_store %arg6[%swap3A_1032, %swap3A_1033], %add3A_1031 {strides = array<i32>} : memref<416x128xi32, #tpu.memory_space<vmem>>, vector<16xi32>,
      %mul3A_1035 = arith.constant 16 : i32
      %mul3A_1036 = arith.muli %scan3A_19, %mul3A_1035 : i32
      %add3A_1037 = arith.constant 8 : i32
      %add3A_1038 = arith.addi %mul3A_1036, %add3A_1037 : i32
      %add3A_1039 = arith.constant 4 : i32
      %add3A_1040 = arith.addi %add3A_1038, %add3A_1039 : i32
      %add3A_1041 = arith.constant 8320512 : i32
      %add3A_1042 = vector.broadcast %add3A_1041 : i32 to vector<16xi32>
      %add3A_1043 = arith.addi %add3A_890, %add3A_1042 : vector<16xi32>
      %swap3A_1044 = arith.index_cast %add3A_1040 : i32 to index
      %swap3A_1045 = arith.constant 64 : index
      %swap3A_1046 = tpu.vector_load %arg6[%swap3A_1044, %swap3A_1045] {strides = array<i32>} : memref<416x128xi32, #tpu.memory_space<vmem>>, vector<16xi32>,
      tpu.vector_store %arg6[%swap3A_1044, %swap3A_1045], %add3A_1043 {strides = array<i32>} : memref<416x128xi32, #tpu.memory_space<vmem>>, vector<16xi32>,
      %mul3A_1047 = arith.constant 16 : i32
      %mul3A_1048 = arith.muli %scan3A_19, %mul3A_1047 : i32
      %add3A_1049 = arith.constant 8 : i32
      %add3A_1050 = arith.addi %mul3A_1048, %add3A_1049 : i32
      %add3A_1051 = arith.constant 5 : i32
      %add3A_1052 = arith.addi %add3A_1050, %add3A_1051 : i32
      %add3A_1053 = arith.constant 8320640 : i32
      %add3A_1054 = vector.broadcast %add3A_1053 : i32 to vector<16xi32>
      %add3A_1055 = arith.addi %add3A_890, %add3A_1054 : vector<16xi32>
      %swap3A_1056 = arith.index_cast %add3A_1052 : i32 to index
      %swap3A_1057 = arith.constant 64 : index
      %swap3A_1058 = tpu.vector_load %arg6[%swap3A_1056, %swap3A_1057] {strides = array<i32>} : memref<416x128xi32, #tpu.memory_space<vmem>>, vector<16xi32>,
      tpu.vector_store %arg6[%swap3A_1056, %swap3A_1057], %add3A_1055 {strides = array<i32>} : memref<416x128xi32, #tpu.memory_space<vmem>>, vector<16xi32>,
      %mul3A_1059 = arith.constant 16 : i32
      %mul3A_1060 = arith.muli %scan3A_19, %mul3A_1059 : i32
      %add3A_1061 = arith.constant 8 : i32
      %add3A_1062 = arith.addi %mul3A_1060, %add3A_1061 : i32
      %add3A_1063 = arith.constant 6 : i32
      %add3A_1064 = arith.addi %add3A_1062, %add3A_1063 : i32
      %add3A_1065 = arith.constant 8320768 : i32
      %add3A_1066 = vector.broadcast %add3A_1065 : i32 to vector<16xi32>
      %add3A_1067 = arith.addi %add3A_890, %add3A_1066 : vector<16xi32>
      %swap3A_1068 = arith.index_cast %add3A_1064 : i32 to index
      %swap3A_1069 = arith.constant 64 : index
      %swap3A_1070 = tpu.vector_load %arg6[%swap3A_1068, %swap3A_1069] {strides = array<i32>} : memref<416x128xi32, #tpu.memory_space<vmem>>, vector<16xi32>,
      tpu.vector_store %arg6[%swap3A_1068, %swap3A_1069], %add3A_1067 {strides = array<i32>} : memref<416x128xi32, #tpu.memory_space<vmem>>, vector<16xi32>,
      %mul3A_1071 = arith.constant 16 : i32
      %mul3A_1072 = arith.muli %scan3A_19, %mul3A_1071 : i32
      %add3A_1073 = arith.constant 8 : i32
      %add3A_1074 = arith.addi %mul3A_1072, %add3A_1073 : i32
      %add3A_1075 = arith.constant 7 : i32
      %add3A_1076 = arith.addi %add3A_1074, %add3A_1075 : i32
      %add3A_1077 = arith.constant 8320896 : i32
      %add3A_1078 = vector.broadcast %add3A_1077 : i32 to vector<16xi32>
      %add3A_1079 = arith.addi %add3A_890, %add3A_1078 : vector<16xi32>
      %swap3A_1080 = arith.index_cast %add3A_1076 : i32 to index
      %swap3A_1081 = arith.constant 64 : index
      %swap3A_1082 = tpu.vector_load %arg6[%swap3A_1080, %swap3A_1081] {strides = array<i32>} : memref<416x128xi32, #tpu.memory_space<vmem>>, vector<16xi32>,
      tpu.vector_store %arg6[%swap3A_1080, %swap3A_1081], %add3A_1079 {strides = array<i32>} : memref<416x128xi32, #tpu.memory_space<vmem>>, vector<16xi32>,
      %add3A_1083 = arith.constant 80 : i32
      %add3A_1084 = vector.broadcast %add3A_1083 : i32 to vector<16xi32>
      %add3A_1085 = arith.addi %add3A_1084, %iota3A : vector<16xi32>
      %mul3A_1086 = arith.constant 26 : i32
      %mul3A_1087 = vector.broadcast %mul3A_1086 : i32 to vector<16xi32>
      %mul3A_1088 = arith.muli %add3A_1085, %mul3A_1087 : vector<16xi32>
      %add3A_1089 = vector.broadcast %scan3A_19 : i32 to vector<16xi32>
      %add3A_1090 = arith.addi %mul3A_1088, %add3A_1089 : vector<16xi32>
      %gather3A_1091 = tpu.vector_load_idx %arg5[%add3A_1090] : memref<3328xi32, #tpu.memory_space<vmem>>[vector<16xi32>], vector<16xi32>,
      %add3A_1092 = vector.broadcast %mul3A_21 : i32 to vector<16xi32>
      %add3A_1093 = arith.addi %gather3A_1091, %add3A_1092 : vector<16xi32>
      %shift_right_logical3A_1094 = arith.constant 7 : i32
      %shift_right_logical3A_1095 = vector.broadcast %shift_right_logical3A_1094 : i32 to vector<16xi32>
      %shift_right_logical3A_1096 = arith.shrui %add3A_1093, %shift_right_logical3A_1095 : vector<16xi32>
      %mul3A_1097 = arith.constant 1024 : i32
      %mul3A_1098 = vector.broadcast %mul3A_1097 : i32 to vector<16xi32>
      %mul3A_1099 = arith.muli %shift_right_logical3A_1096, %mul3A_1098 : vector<16xi32>
      %and3A_1100 = arith.constant 127 : i32
      %and3A_1101 = vector.broadcast %and3A_1100 : i32 to vector<16xi32>
      %and3A_1102 = arith.andi %add3A_1093, %and3A_1101 : vector<16xi32>
      %add3A_1103 = arith.addi %mul3A_1099, %and3A_1102 : vector<16xi32>
      %mul3A_1104 = arith.constant 16 : i32
      %mul3A_1105 = arith.muli %scan3A_19, %mul3A_1104 : i32
      %add3A_1106 = arith.constant 0 : i32
      %add3A_1107 = arith.addi %mul3A_1105, %add3A_1106 : i32
      %add3A_1108 = arith.constant 0 : i32
      %add3A_1109 = arith.addi %add3A_1107, %add3A_1108 : i32
      %add3A_1110 = arith.constant 0 : i32
      %add3A_1111 = vector.broadcast %add3A_1110 : i32 to vector<16xi32>
      %add3A_1112 = arith.addi %add3A_1103, %add3A_1111 : vector<16xi32>
      %swap3A_1113 = arith.index_cast %add3A_1109 : i32 to index
      %swap3A_1114 = arith.constant 80 : index
      %swap3A_1115 = tpu.vector_load %arg6[%swap3A_1113, %swap3A_1114] {strides = array<i32>} : memref<416x128xi32, #tpu.memory_space<vmem>>, vector<16xi32>,
      tpu.vector_store %arg6[%swap3A_1113, %swap3A_1114], %add3A_1112 {strides = array<i32>} : memref<416x128xi32, #tpu.memory_space<vmem>>, vector<16xi32>,
      %mul3A_1116 = arith.constant 16 : i32
      %mul3A_1117 = arith.muli %scan3A_19, %mul3A_1116 : i32
      %add3A_1118 = arith.constant 0 : i32
      %add3A_1119 = arith.addi %mul3A_1117, %add3A_1118 : i32
      %add3A_1120 = arith.constant 1 : i32
      %add3A_1121 = arith.addi %add3A_1119, %add3A_1120 : i32
      %add3A_1122 = arith.constant 128 : i32
      %add3A_1123 = vector.broadcast %add3A_1122 : i32 to vector<16xi32>
      %add3A_1124 = arith.addi %add3A_1103, %add3A_1123 : vector<16xi32>
      %swap3A_1125 = arith.index_cast %add3A_1121 : i32 to index
      %swap3A_1126 = arith.constant 80 : index
      %swap3A_1127 = tpu.vector_load %arg6[%swap3A_1125, %swap3A_1126] {strides = array<i32>} : memref<416x128xi32, #tpu.memory_space<vmem>>, vector<16xi32>,
      tpu.vector_store %arg6[%swap3A_1125, %swap3A_1126], %add3A_1124 {strides = array<i32>} : memref<416x128xi32, #tpu.memory_space<vmem>>, vector<16xi32>,
      %mul3A_1128 = arith.constant 16 : i32
      %mul3A_1129 = arith.muli %scan3A_19, %mul3A_1128 : i32
      %add3A_1130 = arith.constant 0 : i32
      %add3A_1131 = arith.addi %mul3A_1129, %add3A_1130 : i32
      %add3A_1132 = arith.constant 2 : i32
      %add3A_1133 = arith.addi %add3A_1131, %add3A_1132 : i32
      %add3A_1134 = arith.constant 256 : i32
      %add3A_1135 = vector.broadcast %add3A_1134 : i32 to vector<16xi32>
      %add3A_1136 = arith.addi %add3A_1103, %add3A_1135 : vector<16xi32>
      %swap3A_1137 = arith.index_cast %add3A_1133 : i32 to index
      %swap3A_1138 = arith.constant 80 : index
      %swap3A_1139 = tpu.vector_load %arg6[%swap3A_1137, %swap3A_1138] {strides = array<i32>} : memref<416x128xi32, #tpu.memory_space<vmem>>, vector<16xi32>,
      tpu.vector_store %arg6[%swap3A_1137, %swap3A_1138], %add3A_1136 {strides = array<i32>} : memref<416x128xi32, #tpu.memory_space<vmem>>, vector<16xi32>,
      %mul3A_1140 = arith.constant 16 : i32
      %mul3A_1141 = arith.muli %scan3A_19, %mul3A_1140 : i32
      %add3A_1142 = arith.constant 0 : i32
      %add3A_1143 = arith.addi %mul3A_1141, %add3A_1142 : i32
      %add3A_1144 = arith.constant 3 : i32
      %add3A_1145 = arith.addi %add3A_1143, %add3A_1144 : i32
      %add3A_1146 = arith.constant 384 : i32
      %add3A_1147 = vector.broadcast %add3A_1146 : i32 to vector<16xi32>
      %add3A_1148 = arith.addi %add3A_1103, %add3A_1147 : vector<16xi32>
      %swap3A_1149 = arith.index_cast %add3A_1145 : i32 to index
      %swap3A_1150 = arith.constant 80 : index
      %swap3A_1151 = tpu.vector_load %arg6[%swap3A_1149, %swap3A_1150] {strides = array<i32>} : memref<416x128xi32, #tpu.memory_space<vmem>>, vector<16xi32>,
      tpu.vector_store %arg6[%swap3A_1149, %swap3A_1150], %add3A_1148 {strides = array<i32>} : memref<416x128xi32, #tpu.memory_space<vmem>>, vector<16xi32>,
      %mul3A_1152 = arith.constant 16 : i32
      %mul3A_1153 = arith.muli %scan3A_19, %mul3A_1152 : i32
      %add3A_1154 = arith.constant 0 : i32
      %add3A_1155 = arith.addi %mul3A_1153, %add3A_1154 : i32
      %add3A_1156 = arith.constant 4 : i32
      %add3A_1157 = arith.addi %add3A_1155, %add3A_1156 : i32
      %add3A_1158 = arith.constant 512 : i32
      %add3A_1159 = vector.broadcast %add3A_1158 : i32 to vector<16xi32>
      %add3A_1160 = arith.addi %add3A_1103, %add3A_1159 : vector<16xi32>
      %swap3A_1161 = arith.index_cast %add3A_1157 : i32 to index
      %swap3A_1162 = arith.constant 80 : index
      %swap3A_1163 = tpu.vector_load %arg6[%swap3A_1161, %swap3A_1162] {strides = array<i32>} : memref<416x128xi32, #tpu.memory_space<vmem>>, vector<16xi32>,
      tpu.vector_store %arg6[%swap3A_1161, %swap3A_1162], %add3A_1160 {strides = array<i32>} : memref<416x128xi32, #tpu.memory_space<vmem>>, vector<16xi32>,
      %mul3A_1164 = arith.constant 16 : i32
      %mul3A_1165 = arith.muli %scan3A_19, %mul3A_1164 : i32
      %add3A_1166 = arith.constant 0 : i32
      %add3A_1167 = arith.addi %mul3A_1165, %add3A_1166 : i32
      %add3A_1168 = arith.constant 5 : i32
      %add3A_1169 = arith.addi %add3A_1167, %add3A_1168 : i32
      %add3A_1170 = arith.constant 640 : i32
      %add3A_1171 = vector.broadcast %add3A_1170 : i32 to vector<16xi32>
      %add3A_1172 = arith.addi %add3A_1103, %add3A_1171 : vector<16xi32>
      %swap3A_1173 = arith.index_cast %add3A_1169 : i32 to index
      %swap3A_1174 = arith.constant 80 : index
      %swap3A_1175 = tpu.vector_load %arg6[%swap3A_1173, %swap3A_1174] {strides = array<i32>} : memref<416x128xi32, #tpu.memory_space<vmem>>, vector<16xi32>,
      tpu.vector_store %arg6[%swap3A_1173, %swap3A_1174], %add3A_1172 {strides = array<i32>} : memref<416x128xi32, #tpu.memory_space<vmem>>, vector<16xi32>,
      %mul3A_1176 = arith.constant 16 : i32
      %mul3A_1177 = arith.muli %scan3A_19, %mul3A_1176 : i32
      %add3A_1178 = arith.constant 0 : i32
      %add3A_1179 = arith.addi %mul3A_1177, %add3A_1178 : i32
      %add3A_1180 = arith.constant 6 : i32
      %add3A_1181 = arith.addi %add3A_1179, %add3A_1180 : i32
      %add3A_1182 = arith.constant 768 : i32
      %add3A_1183 = vector.broadcast %add3A_1182 : i32 to vector<16xi32>
      %add3A_1184 = arith.addi %add3A_1103, %add3A_1183 : vector<16xi32>
      %swap3A_1185 = arith.index_cast %add3A_1181 : i32 to index
      %swap3A_1186 = arith.constant 80 : index
      %swap3A_1187 = tpu.vector_load %arg6[%swap3A_1185, %swap3A_1186] {strides = array<i32>} : memref<416x128xi32, #tpu.memory_space<vmem>>, vector<16xi32>,
      tpu.vector_store %arg6[%swap3A_1185, %swap3A_1186], %add3A_1184 {strides = array<i32>} : memref<416x128xi32, #tpu.memory_space<vmem>>, vector<16xi32>,
      %mul3A_1188 = arith.constant 16 : i32
      %mul3A_1189 = arith.muli %scan3A_19, %mul3A_1188 : i32
      %add3A_1190 = arith.constant 0 : i32
      %add3A_1191 = arith.addi %mul3A_1189, %add3A_1190 : i32
      %add3A_1192 = arith.constant 7 : i32
      %add3A_1193 = arith.addi %add3A_1191, %add3A_1192 : i32
      %add3A_1194 = arith.constant 896 : i32
      %add3A_1195 = vector.broadcast %add3A_1194 : i32 to vector<16xi32>
      %add3A_1196 = arith.addi %add3A_1103, %add3A_1195 : vector<16xi32>
      %swap3A_1197 = arith.index_cast %add3A_1193 : i32 to index
      %swap3A_1198 = arith.constant 80 : index
      %swap3A_1199 = tpu.vector_load %arg6[%swap3A_1197, %swap3A_1198] {strides = array<i32>} : memref<416x128xi32, #tpu.memory_space<vmem>>, vector<16xi32>,
      tpu.vector_store %arg6[%swap3A_1197, %swap3A_1198], %add3A_1196 {strides = array<i32>} : memref<416x128xi32, #tpu.memory_space<vmem>>, vector<16xi32>,
      %mul3A_1200 = arith.constant 16 : i32
      %mul3A_1201 = arith.muli %scan3A_19, %mul3A_1200 : i32
      %add3A_1202 = arith.constant 8 : i32
      %add3A_1203 = arith.addi %mul3A_1201, %add3A_1202 : i32
      %add3A_1204 = arith.constant 0 : i32
      %add3A_1205 = arith.addi %add3A_1203, %add3A_1204 : i32
      %add3A_1206 = arith.constant 8320000 : i32
      %add3A_1207 = vector.broadcast %add3A_1206 : i32 to vector<16xi32>
      %add3A_1208 = arith.addi %add3A_1103, %add3A_1207 : vector<16xi32>
      %swap3A_1209 = arith.index_cast %add3A_1205 : i32 to index
      %swap3A_1210 = arith.constant 80 : index
      %swap3A_1211 = tpu.vector_load %arg6[%swap3A_1209, %swap3A_1210] {strides = array<i32>} : memref<416x128xi32, #tpu.memory_space<vmem>>, vector<16xi32>,
      tpu.vector_store %arg6[%swap3A_1209, %swap3A_1210], %add3A_1208 {strides = array<i32>} : memref<416x128xi32, #tpu.memory_space<vmem>>, vector<16xi32>,
      %mul3A_1212 = arith.constant 16 : i32
      %mul3A_1213 = arith.muli %scan3A_19, %mul3A_1212 : i32
      %add3A_1214 = arith.constant 8 : i32
      %add3A_1215 = arith.addi %mul3A_1213, %add3A_1214 : i32
      %add3A_1216 = arith.constant 1 : i32
      %add3A_1217 = arith.addi %add3A_1215, %add3A_1216 : i32
      %add3A_1218 = arith.constant 8320128 : i32
      %add3A_1219 = vector.broadcast %add3A_1218 : i32 to vector<16xi32>
      %add3A_1220 = arith.addi %add3A_1103, %add3A_1219 : vector<16xi32>
      %swap3A_1221 = arith.index_cast %add3A_1217 : i32 to index
      %swap3A_1222 = arith.constant 80 : index
      %swap3A_1223 = tpu.vector_load %arg6[%swap3A_1221, %swap3A_1222] {strides = array<i32>} : memref<416x128xi32, #tpu.memory_space<vmem>>, vector<16xi32>,
      tpu.vector_store %arg6[%swap3A_1221, %swap3A_1222], %add3A_1220 {strides = array<i32>} : memref<416x128xi32, #tpu.memory_space<vmem>>, vector<16xi32>,
      %mul3A_1224 = arith.constant 16 : i32
      %mul3A_1225 = arith.muli %scan3A_19, %mul3A_1224 : i32
      %add3A_1226 = arith.constant 8 : i32
      %add3A_1227 = arith.addi %mul3A_1225, %add3A_1226 : i32
      %add3A_1228 = arith.constant 2 : i32
      %add3A_1229 = arith.addi %add3A_1227, %add3A_1228 : i32
      %add3A_1230 = arith.constant 8320256 : i32
      %add3A_1231 = vector.broadcast %add3A_1230 : i32 to vector<16xi32>
      %add3A_1232 = arith.addi %add3A_1103, %add3A_1231 : vector<16xi32>
      %swap3A_1233 = arith.index_cast %add3A_1229 : i32 to index
      %swap3A_1234 = arith.constant 80 : index
      %swap3A_1235 = tpu.vector_load %arg6[%swap3A_1233, %swap3A_1234] {strides = array<i32>} : memref<416x128xi32, #tpu.memory_space<vmem>>, vector<16xi32>,
      tpu.vector_store %arg6[%swap3A_1233, %swap3A_1234], %add3A_1232 {strides = array<i32>} : memref<416x128xi32, #tpu.memory_space<vmem>>, vector<16xi32>,
      %mul3A_1236 = arith.constant 16 : i32
      %mul3A_1237 = arith.muli %scan3A_19, %mul3A_1236 : i32
      %add3A_1238 = arith.constant 8 : i32
      %add3A_1239 = arith.addi %mul3A_1237, %add3A_1238 : i32
      %add3A_1240 = arith.constant 3 : i32
      %add3A_1241 = arith.addi %add3A_1239, %add3A_1240 : i32
      %add3A_1242 = arith.constant 8320384 : i32
      %add3A_1243 = vector.broadcast %add3A_1242 : i32 to vector<16xi32>
      %add3A_1244 = arith.addi %add3A_1103, %add3A_1243 : vector<16xi32>
      %swap3A_1245 = arith.index_cast %add3A_1241 : i32 to index
      %swap3A_1246 = arith.constant 80 : index
      %swap3A_1247 = tpu.vector_load %arg6[%swap3A_1245, %swap3A_1246] {strides = array<i32>} : memref<416x128xi32, #tpu.memory_space<vmem>>, vector<16xi32>,
      tpu.vector_store %arg6[%swap3A_1245, %swap3A_1246], %add3A_1244 {strides = array<i32>} : memref<416x128xi32, #tpu.memory_space<vmem>>, vector<16xi32>,
      %mul3A_1248 = arith.constant 16 : i32
      %mul3A_1249 = arith.muli %scan3A_19, %mul3A_1248 : i32
      %add3A_1250 = arith.constant 8 : i32
      %add3A_1251 = arith.addi %mul3A_1249, %add3A_1250 : i32
      %add3A_1252 = arith.constant 4 : i32
      %add3A_1253 = arith.addi %add3A_1251, %add3A_1252 : i32
      %add3A_1254 = arith.constant 8320512 : i32
      %add3A_1255 = vector.broadcast %add3A_1254 : i32 to vector<16xi32>
      %add3A_1256 = arith.addi %add3A_1103, %add3A_1255 : vector<16xi32>
      %swap3A_1257 = arith.index_cast %add3A_1253 : i32 to index
      %swap3A_1258 = arith.constant 80 : index
      %swap3A_1259 = tpu.vector_load %arg6[%swap3A_1257, %swap3A_1258] {strides = array<i32>} : memref<416x128xi32, #tpu.memory_space<vmem>>, vector<16xi32>,
      tpu.vector_store %arg6[%swap3A_1257, %swap3A_1258], %add3A_1256 {strides = array<i32>} : memref<416x128xi32, #tpu.memory_space<vmem>>, vector<16xi32>,
      %mul3A_1260 = arith.constant 16 : i32
      %mul3A_1261 = arith.muli %scan3A_19, %mul3A_1260 : i32
      %add3A_1262 = arith.constant 8 : i32
      %add3A_1263 = arith.addi %mul3A_1261, %add3A_1262 : i32
      %add3A_1264 = arith.constant 5 : i32
      %add3A_1265 = arith.addi %add3A_1263, %add3A_1264 : i32
      %add3A_1266 = arith.constant 8320640 : i32
      %add3A_1267 = vector.broadcast %add3A_1266 : i32 to vector<16xi32>
      %add3A_1268 = arith.addi %add3A_1103, %add3A_1267 : vector<16xi32>
      %swap3A_1269 = arith.index_cast %add3A_1265 : i32 to index
      %swap3A_1270 = arith.constant 80 : index
      %swap3A_1271 = tpu.vector_load %arg6[%swap3A_1269, %swap3A_1270] {strides = array<i32>} : memref<416x128xi32, #tpu.memory_space<vmem>>, vector<16xi32>,
      tpu.vector_store %arg6[%swap3A_1269, %swap3A_1270], %add3A_1268 {strides = array<i32>} : memref<416x128xi32, #tpu.memory_space<vmem>>, vector<16xi32>,
      %mul3A_1272 = arith.constant 16 : i32
      %mul3A_1273 = arith.muli %scan3A_19, %mul3A_1272 : i32
      %add3A_1274 = arith.constant 8 : i32
      %add3A_1275 = arith.addi %mul3A_1273, %add3A_1274 : i32
      %add3A_1276 = arith.constant 6 : i32
      %add3A_1277 = arith.addi %add3A_1275, %add3A_1276 : i32
      %add3A_1278 = arith.constant 8320768 : i32
      %add3A_1279 = vector.broadcast %add3A_1278 : i32 to vector<16xi32>
      %add3A_1280 = arith.addi %add3A_1103, %add3A_1279 : vector<16xi32>
      %swap3A_1281 = arith.index_cast %add3A_1277 : i32 to index
      %swap3A_1282 = arith.constant 80 : index
      %swap3A_1283 = tpu.vector_load %arg6[%swap3A_1281, %swap3A_1282] {strides = array<i32>} : memref<416x128xi32, #tpu.memory_space<vmem>>, vector<16xi32>,
      tpu.vector_store %arg6[%swap3A_1281, %swap3A_1282], %add3A_1280 {strides = array<i32>} : memref<416x128xi32, #tpu.memory_space<vmem>>, vector<16xi32>,
      %mul3A_1284 = arith.constant 16 : i32
      %mul3A_1285 = arith.muli %scan3A_19, %mul3A_1284 : i32
      %add3A_1286 = arith.constant 8 : i32
      %add3A_1287 = arith.addi %mul3A_1285, %add3A_1286 : i32
      %add3A_1288 = arith.constant 7 : i32
      %add3A_1289 = arith.addi %add3A_1287, %add3A_1288 : i32
      %add3A_1290 = arith.constant 8320896 : i32
      %add3A_1291 = vector.broadcast %add3A_1290 : i32 to vector<16xi32>
      %add3A_1292 = arith.addi %add3A_1103, %add3A_1291 : vector<16xi32>
      %swap3A_1293 = arith.index_cast %add3A_1289 : i32 to index
      %swap3A_1294 = arith.constant 80 : index
      %swap3A_1295 = tpu.vector_load %arg6[%swap3A_1293, %swap3A_1294] {strides = array<i32>} : memref<416x128xi32, #tpu.memory_space<vmem>>, vector<16xi32>,
      tpu.vector_store %arg6[%swap3A_1293, %swap3A_1294], %add3A_1292 {strides = array<i32>} : memref<416x128xi32, #tpu.memory_space<vmem>>, vector<16xi32>,
      %add3A_1296 = arith.constant 96 : i32
      %add3A_1297 = vector.broadcast %add3A_1296 : i32 to vector<16xi32>
      %add3A_1298 = arith.addi %add3A_1297, %iota3A : vector<16xi32>
      %mul3A_1299 = arith.constant 26 : i32
      %mul3A_1300 = vector.broadcast %mul3A_1299 : i32 to vector<16xi32>
      %mul3A_1301 = arith.muli %add3A_1298, %mul3A_1300 : vector<16xi32>
      %add3A_1302 = vector.broadcast %scan3A_19 : i32 to vector<16xi32>
      %add3A_1303 = arith.addi %mul3A_1301, %add3A_1302 : vector<16xi32>
      %gather3A_1304 = tpu.vector_load_idx %arg5[%add3A_1303] : memref<3328xi32, #tpu.memory_space<vmem>>[vector<16xi32>], vector<16xi32>,
      %add3A_1305 = vector.broadcast %mul3A_21 : i32 to vector<16xi32>
      %add3A_1306 = arith.addi %gather3A_1304, %add3A_1305 : vector<16xi32>
      %shift_right_logical3A_1307 = arith.constant 7 : i32
      %shift_right_logical3A_1308 = vector.broadcast %shift_right_logical3A_1307 : i32 to vector<16xi32>
      %shift_right_logical3A_1309 = arith.shrui %add3A_1306, %shift_right_logical3A_1308 : vector<16xi32>
      %mul3A_1310 = arith.constant 1024 : i32
      %mul3A_1311 = vector.broadcast %mul3A_1310 : i32 to vector<16xi32>
      %mul3A_1312 = arith.muli %shift_right_logical3A_1309, %mul3A_1311 : vector<16xi32>
      %and3A_1313 = arith.constant 127 : i32
      %and3A_1314 = vector.broadcast %and3A_1313 : i32 to vector<16xi32>
      %and3A_1315 = arith.andi %add3A_1306, %and3A_1314 : vector<16xi32>
      %add3A_1316 = arith.addi %mul3A_1312, %and3A_1315 : vector<16xi32>
      %mul3A_1317 = arith.constant 16 : i32
      %mul3A_1318 = arith.muli %scan3A_19, %mul3A_1317 : i32
      %add3A_1319 = arith.constant 0 : i32
      %add3A_1320 = arith.addi %mul3A_1318, %add3A_1319 : i32
      %add3A_1321 = arith.constant 0 : i32
      %add3A_1322 = arith.addi %add3A_1320, %add3A_1321 : i32
      %add3A_1323 = arith.constant 0 : i32
      %add3A_1324 = vector.broadcast %add3A_1323 : i32 to vector<16xi32>
      %add3A_1325 = arith.addi %add3A_1316, %add3A_1324 : vector<16xi32>
      %swap3A_1326 = arith.index_cast %add3A_1322 : i32 to index
      %swap3A_1327 = arith.constant 96 : index
      %swap3A_1328 = tpu.vector_load %arg6[%swap3A_1326, %swap3A_1327] {strides = array<i32>} : memref<416x128xi32, #tpu.memory_space<vmem>>, vector<16xi32>,
      tpu.vector_store %arg6[%swap3A_1326, %swap3A_1327], %add3A_1325 {strides = array<i32>} : memref<416x128xi32, #tpu.memory_space<vmem>>, vector<16xi32>,
      %mul3A_1329 = arith.constant 16 : i32
      %mul3A_1330 = arith.muli %scan3A_19, %mul3A_1329 : i32
      %add3A_1331 = arith.constant 0 : i32
      %add3A_1332 = arith.addi %mul3A_1330, %add3A_1331 : i32
      %add3A_1333 = arith.constant 1 : i32
      %add3A_1334 = arith.addi %add3A_1332, %add3A_1333 : i32
      %add3A_1335 = arith.constant 128 : i32
      %add3A_1336 = vector.broadcast %add3A_1335 : i32 to vector<16xi32>
      %add3A_1337 = arith.addi %add3A_1316, %add3A_1336 : vector<16xi32>
      %swap3A_1338 = arith.index_cast %add3A_1334 : i32 to index
      %swap3A_1339 = arith.constant 96 : index
      %swap3A_1340 = tpu.vector_load %arg6[%swap3A_1338, %swap3A_1339] {strides = array<i32>} : memref<416x128xi32, #tpu.memory_space<vmem>>, vector<16xi32>,
      tpu.vector_store %arg6[%swap3A_1338, %swap3A_1339], %add3A_1337 {strides = array<i32>} : memref<416x128xi32, #tpu.memory_space<vmem>>, vector<16xi32>,
      %mul3A_1341 = arith.constant 16 : i32
      %mul3A_1342 = arith.muli %scan3A_19, %mul3A_1341 : i32
      %add3A_1343 = arith.constant 0 : i32
      %add3A_1344 = arith.addi %mul3A_1342, %add3A_1343 : i32
      %add3A_1345 = arith.constant 2 : i32
      %add3A_1346 = arith.addi %add3A_1344, %add3A_1345 : i32
      %add3A_1347 = arith.constant 256 : i32
      %add3A_1348 = vector.broadcast %add3A_1347 : i32 to vector<16xi32>
      %add3A_1349 = arith.addi %add3A_1316, %add3A_1348 : vector<16xi32>
      %swap3A_1350 = arith.index_cast %add3A_1346 : i32 to index
      %swap3A_1351 = arith.constant 96 : index
      %swap3A_1352 = tpu.vector_load %arg6[%swap3A_1350, %swap3A_1351] {strides = array<i32>} : memref<416x128xi32, #tpu.memory_space<vmem>>, vector<16xi32>,
      tpu.vector_store %arg6[%swap3A_1350, %swap3A_1351], %add3A_1349 {strides = array<i32>} : memref<416x128xi32, #tpu.memory_space<vmem>>, vector<16xi32>,
      %mul3A_1353 = arith.constant 16 : i32
      %mul3A_1354 = arith.muli %scan3A_19, %mul3A_1353 : i32
      %add3A_1355 = arith.constant 0 : i32
      %add3A_1356 = arith.addi %mul3A_1354, %add3A_1355 : i32
      %add3A_1357 = arith.constant 3 : i32
      %add3A_1358 = arith.addi %add3A_1356, %add3A_1357 : i32
      %add3A_1359 = arith.constant 384 : i32
      %add3A_1360 = vector.broadcast %add3A_1359 : i32 to vector<16xi32>
      %add3A_1361 = arith.addi %add3A_1316, %add3A_1360 : vector<16xi32>
      %swap3A_1362 = arith.index_cast %add3A_1358 : i32 to index
      %swap3A_1363 = arith.constant 96 : index
      %swap3A_1364 = tpu.vector_load %arg6[%swap3A_1362, %swap3A_1363] {strides = array<i32>} : memref<416x128xi32, #tpu.memory_space<vmem>>, vector<16xi32>,
      tpu.vector_store %arg6[%swap3A_1362, %swap3A_1363], %add3A_1361 {strides = array<i32>} : memref<416x128xi32, #tpu.memory_space<vmem>>, vector<16xi32>,
      %mul3A_1365 = arith.constant 16 : i32
      %mul3A_1366 = arith.muli %scan3A_19, %mul3A_1365 : i32
      %add3A_1367 = arith.constant 0 : i32
      %add3A_1368 = arith.addi %mul3A_1366, %add3A_1367 : i32
      %add3A_1369 = arith.constant 4 : i32
      %add3A_1370 = arith.addi %add3A_1368, %add3A_1369 : i32
      %add3A_1371 = arith.constant 512 : i32
      %add3A_1372 = vector.broadcast %add3A_1371 : i32 to vector<16xi32>
      %add3A_1373 = arith.addi %add3A_1316, %add3A_1372 : vector<16xi32>
      %swap3A_1374 = arith.index_cast %add3A_1370 : i32 to index
      %swap3A_1375 = arith.constant 96 : index
      %swap3A_1376 = tpu.vector_load %arg6[%swap3A_1374, %swap3A_1375] {strides = array<i32>} : memref<416x128xi32, #tpu.memory_space<vmem>>, vector<16xi32>,
      tpu.vector_store %arg6[%swap3A_1374, %swap3A_1375], %add3A_1373 {strides = array<i32>} : memref<416x128xi32, #tpu.memory_space<vmem>>, vector<16xi32>,
      %mul3A_1377 = arith.constant 16 : i32
      %mul3A_1378 = arith.muli %scan3A_19, %mul3A_1377 : i32
      %add3A_1379 = arith.constant 0 : i32
      %add3A_1380 = arith.addi %mul3A_1378, %add3A_1379 : i32
      %add3A_1381 = arith.constant 5 : i32
      %add3A_1382 = arith.addi %add3A_1380, %add3A_1381 : i32
      %add3A_1383 = arith.constant 640 : i32
      %add3A_1384 = vector.broadcast %add3A_1383 : i32 to vector<16xi32>
      %add3A_1385 = arith.addi %add3A_1316, %add3A_1384 : vector<16xi32>
      %swap3A_1386 = arith.index_cast %add3A_1382 : i32 to index
      %swap3A_1387 = arith.constant 96 : index
      %swap3A_1388 = tpu.vector_load %arg6[%swap3A_1386, %swap3A_1387] {strides = array<i32>} : memref<416x128xi32, #tpu.memory_space<vmem>>, vector<16xi32>,
      tpu.vector_store %arg6[%swap3A_1386, %swap3A_1387], %add3A_1385 {strides = array<i32>} : memref<416x128xi32, #tpu.memory_space<vmem>>, vector<16xi32>,
      %mul3A_1389 = arith.constant 16 : i32
      %mul3A_1390 = arith.muli %scan3A_19, %mul3A_1389 : i32
      %add3A_1391 = arith.constant 0 : i32
      %add3A_1392 = arith.addi %mul3A_1390, %add3A_1391 : i32
      %add3A_1393 = arith.constant 6 : i32
      %add3A_1394 = arith.addi %add3A_1392, %add3A_1393 : i32
      %add3A_1395 = arith.constant 768 : i32
      %add3A_1396 = vector.broadcast %add3A_1395 : i32 to vector<16xi32>
      %add3A_1397 = arith.addi %add3A_1316, %add3A_1396 : vector<16xi32>
      %swap3A_1398 = arith.index_cast %add3A_1394 : i32 to index
      %swap3A_1399 = arith.constant 96 : index
      %swap3A_1400 = tpu.vector_load %arg6[%swap3A_1398, %swap3A_1399] {strides = array<i32>} : memref<416x128xi32, #tpu.memory_space<vmem>>, vector<16xi32>,
      tpu.vector_store %arg6[%swap3A_1398, %swap3A_1399], %add3A_1397 {strides = array<i32>} : memref<416x128xi32, #tpu.memory_space<vmem>>, vector<16xi32>,
      %mul3A_1401 = arith.constant 16 : i32
      %mul3A_1402 = arith.muli %scan3A_19, %mul3A_1401 : i32
      %add3A_1403 = arith.constant 0 : i32
      %add3A_1404 = arith.addi %mul3A_1402, %add3A_1403 : i32
      %add3A_1405 = arith.constant 7 : i32
      %add3A_1406 = arith.addi %add3A_1404, %add3A_1405 : i32
      %add3A_1407 = arith.constant 896 : i32
      %add3A_1408 = vector.broadcast %add3A_1407 : i32 to vector<16xi32>
      %add3A_1409 = arith.addi %add3A_1316, %add3A_1408 : vector<16xi32>
      %swap3A_1410 = arith.index_cast %add3A_1406 : i32 to index
      %swap3A_1411 = arith.constant 96 : index
      %swap3A_1412 = tpu.vector_load %arg6[%swap3A_1410, %swap3A_1411] {strides = array<i32>} : memref<416x128xi32, #tpu.memory_space<vmem>>, vector<16xi32>,
      tpu.vector_store %arg6[%swap3A_1410, %swap3A_1411], %add3A_1409 {strides = array<i32>} : memref<416x128xi32, #tpu.memory_space<vmem>>, vector<16xi32>,
      %mul3A_1413 = arith.constant 16 : i32
      %mul3A_1414 = arith.muli %scan3A_19, %mul3A_1413 : i32
      %add3A_1415 = arith.constant 8 : i32
      %add3A_1416 = arith.addi %mul3A_1414, %add3A_1415 : i32
      %add3A_1417 = arith.constant 0 : i32
      %add3A_1418 = arith.addi %add3A_1416, %add3A_1417 : i32
      %add3A_1419 = arith.constant 8320000 : i32
      %add3A_1420 = vector.broadcast %add3A_1419 : i32 to vector<16xi32>
      %add3A_1421 = arith.addi %add3A_1316, %add3A_1420 : vector<16xi32>
      %swap3A_1422 = arith.index_cast %add3A_1418 : i32 to index
      %swap3A_1423 = arith.constant 96 : index
      %swap3A_1424 = tpu.vector_load %arg6[%swap3A_1422, %swap3A_1423] {strides = array<i32>} : memref<416x128xi32, #tpu.memory_space<vmem>>, vector<16xi32>,
      tpu.vector_store %arg6[%swap3A_1422, %swap3A_1423], %add3A_1421 {strides = array<i32>} : memref<416x128xi32, #tpu.memory_space<vmem>>, vector<16xi32>,
      %mul3A_1425 = arith.constant 16 : i32
      %mul3A_1426 = arith.muli %scan3A_19, %mul3A_1425 : i32
      %add3A_1427 = arith.constant 8 : i32
      %add3A_1428 = arith.addi %mul3A_1426, %add3A_1427 : i32
      %add3A_1429 = arith.constant 1 : i32
      %add3A_1430 = arith.addi %add3A_1428, %add3A_1429 : i32
      %add3A_1431 = arith.constant 8320128 : i32
      %add3A_1432 = vector.broadcast %add3A_1431 : i32 to vector<16xi32>
      %add3A_1433 = arith.addi %add3A_1316, %add3A_1432 : vector<16xi32>
      %swap3A_1434 = arith.index_cast %add3A_1430 : i32 to index
      %swap3A_1435 = arith.constant 96 : index
      %swap3A_1436 = tpu.vector_load %arg6[%swap3A_1434, %swap3A_1435] {strides = array<i32>} : memref<416x128xi32, #tpu.memory_space<vmem>>, vector<16xi32>,
      tpu.vector_store %arg6[%swap3A_1434, %swap3A_1435], %add3A_1433 {strides = array<i32>} : memref<416x128xi32, #tpu.memory_space<vmem>>, vector<16xi32>,
      %mul3A_1437 = arith.constant 16 : i32
      %mul3A_1438 = arith.muli %scan3A_19, %mul3A_1437 : i32
      %add3A_1439 = arith.constant 8 : i32
      %add3A_1440 = arith.addi %mul3A_1438, %add3A_1439 : i32
      %add3A_1441 = arith.constant 2 : i32
      %add3A_1442 = arith.addi %add3A_1440, %add3A_1441 : i32
      %add3A_1443 = arith.constant 8320256 : i32
      %add3A_1444 = vector.broadcast %add3A_1443 : i32 to vector<16xi32>
      %add3A_1445 = arith.addi %add3A_1316, %add3A_1444 : vector<16xi32>
      %swap3A_1446 = arith.index_cast %add3A_1442 : i32 to index
      %swap3A_1447 = arith.constant 96 : index
      %swap3A_1448 = tpu.vector_load %arg6[%swap3A_1446, %swap3A_1447] {strides = array<i32>} : memref<416x128xi32, #tpu.memory_space<vmem>>, vector<16xi32>,
      tpu.vector_store %arg6[%swap3A_1446, %swap3A_1447], %add3A_1445 {strides = array<i32>} : memref<416x128xi32, #tpu.memory_space<vmem>>, vector<16xi32>,
      %mul3A_1449 = arith.constant 16 : i32
      %mul3A_1450 = arith.muli %scan3A_19, %mul3A_1449 : i32
      %add3A_1451 = arith.constant 8 : i32
      %add3A_1452 = arith.addi %mul3A_1450, %add3A_1451 : i32
      %add3A_1453 = arith.constant 3 : i32
      %add3A_1454 = arith.addi %add3A_1452, %add3A_1453 : i32
      %add3A_1455 = arith.constant 8320384 : i32
      %add3A_1456 = vector.broadcast %add3A_1455 : i32 to vector<16xi32>
      %add3A_1457 = arith.addi %add3A_1316, %add3A_1456 : vector<16xi32>
      %swap3A_1458 = arith.index_cast %add3A_1454 : i32 to index
      %swap3A_1459 = arith.constant 96 : index
      %swap3A_1460 = tpu.vector_load %arg6[%swap3A_1458, %swap3A_1459] {strides = array<i32>} : memref<416x128xi32, #tpu.memory_space<vmem>>, vector<16xi32>,
      tpu.vector_store %arg6[%swap3A_1458, %swap3A_1459], %add3A_1457 {strides = array<i32>} : memref<416x128xi32, #tpu.memory_space<vmem>>, vector<16xi32>,
      %mul3A_1461 = arith.constant 16 : i32
      %mul3A_1462 = arith.muli %scan3A_19, %mul3A_1461 : i32
      %add3A_1463 = arith.constant 8 : i32
      %add3A_1464 = arith.addi %mul3A_1462, %add3A_1463 : i32
      %add3A_1465 = arith.constant 4 : i32
      %add3A_1466 = arith.addi %add3A_1464, %add3A_1465 : i32
      %add3A_1467 = arith.constant 8320512 : i32
      %add3A_1468 = vector.broadcast %add3A_1467 : i32 to vector<16xi32>
      %add3A_1469 = arith.addi %add3A_1316, %add3A_1468 : vector<16xi32>
      %swap3A_1470 = arith.index_cast %add3A_1466 : i32 to index
      %swap3A_1471 = arith.constant 96 : index
      %swap3A_1472 = tpu.vector_load %arg6[%swap3A_1470, %swap3A_1471] {strides = array<i32>} : memref<416x128xi32, #tpu.memory_space<vmem>>, vector<16xi32>,
      tpu.vector_store %arg6[%swap3A_1470, %swap3A_1471], %add3A_1469 {strides = array<i32>} : memref<416x128xi32, #tpu.memory_space<vmem>>, vector<16xi32>,
      %mul3A_1473 = arith.constant 16 : i32
      %mul3A_1474 = arith.muli %scan3A_19, %mul3A_1473 : i32
      %add3A_1475 = arith.constant 8 : i32
      %add3A_1476 = arith.addi %mul3A_1474, %add3A_1475 : i32
      %add3A_1477 = arith.constant 5 : i32
      %add3A_1478 = arith.addi %add3A_1476, %add3A_1477 : i32
      %add3A_1479 = arith.constant 8320640 : i32
      %add3A_1480 = vector.broadcast %add3A_1479 : i32 to vector<16xi32>
      %add3A_1481 = arith.addi %add3A_1316, %add3A_1480 : vector<16xi32>
      %swap3A_1482 = arith.index_cast %add3A_1478 : i32 to index
      %swap3A_1483 = arith.constant 96 : index
      %swap3A_1484 = tpu.vector_load %arg6[%swap3A_1482, %swap3A_1483] {strides = array<i32>} : memref<416x128xi32, #tpu.memory_space<vmem>>, vector<16xi32>,
      tpu.vector_store %arg6[%swap3A_1482, %swap3A_1483], %add3A_1481 {strides = array<i32>} : memref<416x128xi32, #tpu.memory_space<vmem>>, vector<16xi32>,
      %mul3A_1485 = arith.constant 16 : i32
      %mul3A_1486 = arith.muli %scan3A_19, %mul3A_1485 : i32
      %add3A_1487 = arith.constant 8 : i32
      %add3A_1488 = arith.addi %mul3A_1486, %add3A_1487 : i32
      %add3A_1489 = arith.constant 6 : i32
      %add3A_1490 = arith.addi %add3A_1488, %add3A_1489 : i32
      %add3A_1491 = arith.constant 8320768 : i32
      %add3A_1492 = vector.broadcast %add3A_1491 : i32 to vector<16xi32>
      %add3A_1493 = arith.addi %add3A_1316, %add3A_1492 : vector<16xi32>
      %swap3A_1494 = arith.index_cast %add3A_1490 : i32 to index
      %swap3A_1495 = arith.constant 96 : index
      %swap3A_1496 = tpu.vector_load %arg6[%swap3A_1494, %swap3A_1495] {strides = array<i32>} : memref<416x128xi32, #tpu.memory_space<vmem>>, vector<16xi32>,
      tpu.vector_store %arg6[%swap3A_1494, %swap3A_1495], %add3A_1493 {strides = array<i32>} : memref<416x128xi32, #tpu.memory_space<vmem>>, vector<16xi32>,
      %mul3A_1497 = arith.constant 16 : i32
      %mul3A_1498 = arith.muli %scan3A_19, %mul3A_1497 : i32
      %add3A_1499 = arith.constant 8 : i32
      %add3A_1500 = arith.addi %mul3A_1498, %add3A_1499 : i32
      %add3A_1501 = arith.constant 7 : i32
      %add3A_1502 = arith.addi %add3A_1500, %add3A_1501 : i32
      %add3A_1503 = arith.constant 8320896 : i32
      %add3A_1504 = vector.broadcast %add3A_1503 : i32 to vector<16xi32>
      %add3A_1505 = arith.addi %add3A_1316, %add3A_1504 : vector<16xi32>
      %swap3A_1506 = arith.index_cast %add3A_1502 : i32 to index
      %swap3A_1507 = arith.constant 96 : index
      %swap3A_1508 = tpu.vector_load %arg6[%swap3A_1506, %swap3A_1507] {strides = array<i32>} : memref<416x128xi32, #tpu.memory_space<vmem>>, vector<16xi32>,
      tpu.vector_store %arg6[%swap3A_1506, %swap3A_1507], %add3A_1505 {strides = array<i32>} : memref<416x128xi32, #tpu.memory_space<vmem>>, vector<16xi32>,
      %add3A_1509 = arith.constant 112 : i32
      %add3A_1510 = vector.broadcast %add3A_1509 : i32 to vector<16xi32>
      %add3A_1511 = arith.addi %add3A_1510, %iota3A : vector<16xi32>
      %mul3A_1512 = arith.constant 26 : i32
      %mul3A_1513 = vector.broadcast %mul3A_1512 : i32 to vector<16xi32>
      %mul3A_1514 = arith.muli %add3A_1511, %mul3A_1513 : vector<16xi32>
      %add3A_1515 = vector.broadcast %scan3A_19 : i32 to vector<16xi32>
      %add3A_1516 = arith.addi %mul3A_1514, %add3A_1515 : vector<16xi32>
      %gather3A_1517 = tpu.vector_load_idx %arg5[%add3A_1516] : memref<3328xi32, #tpu.memory_space<vmem>>[vector<16xi32>], vector<16xi32>,
      %add3A_1518 = vector.broadcast %mul3A_21 : i32 to vector<16xi32>
      %add3A_1519 = arith.addi %gather3A_1517, %add3A_1518 : vector<16xi32>
      %shift_right_logical3A_1520 = arith.constant 7 : i32
      %shift_right_logical3A_1521 = vector.broadcast %shift_right_logical3A_1520 : i32 to vector<16xi32>
      %shift_right_logical3A_1522 = arith.shrui %add3A_1519, %shift_right_logical3A_1521 : vector<16xi32>
      %mul3A_1523 = arith.constant 1024 : i32
      %mul3A_1524 = vector.broadcast %mul3A_1523 : i32 to vector<16xi32>
      %mul3A_1525 = arith.muli %shift_right_logical3A_1522, %mul3A_1524 : vector<16xi32>
      %and3A_1526 = arith.constant 127 : i32
      %and3A_1527 = vector.broadcast %and3A_1526 : i32 to vector<16xi32>
      %and3A_1528 = arith.andi %add3A_1519, %and3A_1527 : vector<16xi32>
      %add3A_1529 = arith.addi %mul3A_1525, %and3A_1528 : vector<16xi32>
      %mul3A_1530 = arith.constant 16 : i32
      %mul3A_1531 = arith.muli %scan3A_19, %mul3A_1530 : i32
      %add3A_1532 = arith.constant 0 : i32
      %add3A_1533 = arith.addi %mul3A_1531, %add3A_1532 : i32
      %add3A_1534 = arith.constant 0 : i32
      %add3A_1535 = arith.addi %add3A_1533, %add3A_1534 : i32
      %add3A_1536 = arith.constant 0 : i32
      %add3A_1537 = vector.broadcast %add3A_1536 : i32 to vector<16xi32>
      %add3A_1538 = arith.addi %add3A_1529, %add3A_1537 : vector<16xi32>
      %swap3A_1539 = arith.index_cast %add3A_1535 : i32 to index
      %swap3A_1540 = arith.constant 112 : index
      %swap3A_1541 = tpu.vector_load %arg6[%swap3A_1539, %swap3A_1540] {strides = array<i32>} : memref<416x128xi32, #tpu.memory_space<vmem>>, vector<16xi32>,
      tpu.vector_store %arg6[%swap3A_1539, %swap3A_1540], %add3A_1538 {strides = array<i32>} : memref<416x128xi32, #tpu.memory_space<vmem>>, vector<16xi32>,
      %mul3A_1542 = arith.constant 16 : i32
      %mul3A_1543 = arith.muli %scan3A_19, %mul3A_1542 : i32
      %add3A_1544 = arith.constant 0 : i32
      %add3A_1545 = arith.addi %mul3A_1543, %add3A_1544 : i32
      %add3A_1546 = arith.constant 1 : i32
      %add3A_1547 = arith.addi %add3A_1545, %add3A_1546 : i32
      %add3A_1548 = arith.constant 128 : i32
      %add3A_1549 = vector.broadcast %add3A_1548 : i32 to vector<16xi32>
      %add3A_1550 = arith.addi %add3A_1529, %add3A_1549 : vector<16xi32>
      %swap3A_1551 = arith.index_cast %add3A_1547 : i32 to index
      %swap3A_1552 = arith.constant 112 : index
      %swap3A_1553 = tpu.vector_load %arg6[%swap3A_1551, %swap3A_1552] {strides = array<i32>} : memref<416x128xi32, #tpu.memory_space<vmem>>, vector<16xi32>,
      tpu.vector_store %arg6[%swap3A_1551, %swap3A_1552], %add3A_1550 {strides = array<i32>} : memref<416x128xi32, #tpu.memory_space<vmem>>, vector<16xi32>,
      %mul3A_1554 = arith.constant 16 : i32
      %mul3A_1555 = arith.muli %scan3A_19, %mul3A_1554 : i32
      %add3A_1556 = arith.constant 0 : i32
      %add3A_1557 = arith.addi %mul3A_1555, %add3A_1556 : i32
      %add3A_1558 = arith.constant 2 : i32
      %add3A_1559 = arith.addi %add3A_1557, %add3A_1558 : i32
      %add3A_1560 = arith.constant 256 : i32
      %add3A_1561 = vector.broadcast %add3A_1560 : i32 to vector<16xi32>
      %add3A_1562 = arith.addi %add3A_1529, %add3A_1561 : vector<16xi32>
      %swap3A_1563 = arith.index_cast %add3A_1559 : i32 to index
      %swap3A_1564 = arith.constant 112 : index
      %swap3A_1565 = tpu.vector_load %arg6[%swap3A_1563, %swap3A_1564] {strides = array<i32>} : memref<416x128xi32, #tpu.memory_space<vmem>>, vector<16xi32>,
      tpu.vector_store %arg6[%swap3A_1563, %swap3A_1564], %add3A_1562 {strides = array<i32>} : memref<416x128xi32, #tpu.memory_space<vmem>>, vector<16xi32>,
      %mul3A_1566 = arith.constant 16 : i32
      %mul3A_1567 = arith.muli %scan3A_19, %mul3A_1566 : i32
      %add3A_1568 = arith.constant 0 : i32
      %add3A_1569 = arith.addi %mul3A_1567, %add3A_1568 : i32
      %add3A_1570 = arith.constant 3 : i32
      %add3A_1571 = arith.addi %add3A_1569, %add3A_1570 : i32
      %add3A_1572 = arith.constant 384 : i32
      %add3A_1573 = vector.broadcast %add3A_1572 : i32 to vector<16xi32>
      %add3A_1574 = arith.addi %add3A_1529, %add3A_1573 : vector<16xi32>
      %swap3A_1575 = arith.index_cast %add3A_1571 : i32 to index
      %swap3A_1576 = arith.constant 112 : index
      %swap3A_1577 = tpu.vector_load %arg6[%swap3A_1575, %swap3A_1576] {strides = array<i32>} : memref<416x128xi32, #tpu.memory_space<vmem>>, vector<16xi32>,
      tpu.vector_store %arg6[%swap3A_1575, %swap3A_1576], %add3A_1574 {strides = array<i32>} : memref<416x128xi32, #tpu.memory_space<vmem>>, vector<16xi32>,
      %mul3A_1578 = arith.constant 16 : i32
      %mul3A_1579 = arith.muli %scan3A_19, %mul3A_1578 : i32
      %add3A_1580 = arith.constant 0 : i32
      %add3A_1581 = arith.addi %mul3A_1579, %add3A_1580 : i32
      %add3A_1582 = arith.constant 4 : i32
      %add3A_1583 = arith.addi %add3A_1581, %add3A_1582 : i32
      %add3A_1584 = arith.constant 512 : i32
      %add3A_1585 = vector.broadcast %add3A_1584 : i32 to vector<16xi32>
      %add3A_1586 = arith.addi %add3A_1529, %add3A_1585 : vector<16xi32>
      %swap3A_1587 = arith.index_cast %add3A_1583 : i32 to index
      %swap3A_1588 = arith.constant 112 : index
      %swap3A_1589 = tpu.vector_load %arg6[%swap3A_1587, %swap3A_1588] {strides = array<i32>} : memref<416x128xi32, #tpu.memory_space<vmem>>, vector<16xi32>,
      tpu.vector_store %arg6[%swap3A_1587, %swap3A_1588], %add3A_1586 {strides = array<i32>} : memref<416x128xi32, #tpu.memory_space<vmem>>, vector<16xi32>,
      %mul3A_1590 = arith.constant 16 : i32
      %mul3A_1591 = arith.muli %scan3A_19, %mul3A_1590 : i32
      %add3A_1592 = arith.constant 0 : i32
      %add3A_1593 = arith.addi %mul3A_1591, %add3A_1592 : i32
      %add3A_1594 = arith.constant 5 : i32
      %add3A_1595 = arith.addi %add3A_1593, %add3A_1594 : i32
      %add3A_1596 = arith.constant 640 : i32
      %add3A_1597 = vector.broadcast %add3A_1596 : i32 to vector<16xi32>
      %add3A_1598 = arith.addi %add3A_1529, %add3A_1597 : vector<16xi32>
      %swap3A_1599 = arith.index_cast %add3A_1595 : i32 to index
      %swap3A_1600 = arith.constant 112 : index
      %swap3A_1601 = tpu.vector_load %arg6[%swap3A_1599, %swap3A_1600] {strides = array<i32>} : memref<416x128xi32, #tpu.memory_space<vmem>>, vector<16xi32>,
      tpu.vector_store %arg6[%swap3A_1599, %swap3A_1600], %add3A_1598 {strides = array<i32>} : memref<416x128xi32, #tpu.memory_space<vmem>>, vector<16xi32>,
      %mul3A_1602 = arith.constant 16 : i32
      %mul3A_1603 = arith.muli %scan3A_19, %mul3A_1602 : i32
      %add3A_1604 = arith.constant 0 : i32
      %add3A_1605 = arith.addi %mul3A_1603, %add3A_1604 : i32
      %add3A_1606 = arith.constant 6 : i32
      %add3A_1607 = arith.addi %add3A_1605, %add3A_1606 : i32
      %add3A_1608 = arith.constant 768 : i32
      %add3A_1609 = vector.broadcast %add3A_1608 : i32 to vector<16xi32>
      %add3A_1610 = arith.addi %add3A_1529, %add3A_1609 : vector<16xi32>
      %swap3A_1611 = arith.index_cast %add3A_1607 : i32 to index
      %swap3A_1612 = arith.constant 112 : index
      %swap3A_1613 = tpu.vector_load %arg6[%swap3A_1611, %swap3A_1612] {strides = array<i32>} : memref<416x128xi32, #tpu.memory_space<vmem>>, vector<16xi32>,
      tpu.vector_store %arg6[%swap3A_1611, %swap3A_1612], %add3A_1610 {strides = array<i32>} : memref<416x128xi32, #tpu.memory_space<vmem>>, vector<16xi32>,
      %mul3A_1614 = arith.constant 16 : i32
      %mul3A_1615 = arith.muli %scan3A_19, %mul3A_1614 : i32
      %add3A_1616 = arith.constant 0 : i32
      %add3A_1617 = arith.addi %mul3A_1615, %add3A_1616 : i32
      %add3A_1618 = arith.constant 7 : i32
      %add3A_1619 = arith.addi %add3A_1617, %add3A_1618 : i32
      %add3A_1620 = arith.constant 896 : i32
      %add3A_1621 = vector.broadcast %add3A_1620 : i32 to vector<16xi32>
      %add3A_1622 = arith.addi %add3A_1529, %add3A_1621 : vector<16xi32>
      %swap3A_1623 = arith.index_cast %add3A_1619 : i32 to index
      %swap3A_1624 = arith.constant 112 : index
      %swap3A_1625 = tpu.vector_load %arg6[%swap3A_1623, %swap3A_1624] {strides = array<i32>} : memref<416x128xi32, #tpu.memory_space<vmem>>, vector<16xi32>,
      tpu.vector_store %arg6[%swap3A_1623, %swap3A_1624], %add3A_1622 {strides = array<i32>} : memref<416x128xi32, #tpu.memory_space<vmem>>, vector<16xi32>,
      %mul3A_1626 = arith.constant 16 : i32
      %mul3A_1627 = arith.muli %scan3A_19, %mul3A_1626 : i32
      %add3A_1628 = arith.constant 8 : i32
      %add3A_1629 = arith.addi %mul3A_1627, %add3A_1628 : i32
      %add3A_1630 = arith.constant 0 : i32
      %add3A_1631 = arith.addi %add3A_1629, %add3A_1630 : i32
      %add3A_1632 = arith.constant 8320000 : i32
      %add3A_1633 = vector.broadcast %add3A_1632 : i32 to vector<16xi32>
      %add3A_1634 = arith.addi %add3A_1529, %add3A_1633 : vector<16xi32>
      %swap3A_1635 = arith.index_cast %add3A_1631 : i32 to index
      %swap3A_1636 = arith.constant 112 : index
      %swap3A_1637 = tpu.vector_load %arg6[%swap3A_1635, %swap3A_1636] {strides = array<i32>} : memref<416x128xi32, #tpu.memory_space<vmem>>, vector<16xi32>,
      tpu.vector_store %arg6[%swap3A_1635, %swap3A_1636], %add3A_1634 {strides = array<i32>} : memref<416x128xi32, #tpu.memory_space<vmem>>, vector<16xi32>,
      %mul3A_1638 = arith.constant 16 : i32
      %mul3A_1639 = arith.muli %scan3A_19, %mul3A_1638 : i32
      %add3A_1640 = arith.constant 8 : i32
      %add3A_1641 = arith.addi %mul3A_1639, %add3A_1640 : i32
      %add3A_1642 = arith.constant 1 : i32
      %add3A_1643 = arith.addi %add3A_1641, %add3A_1642 : i32
      %add3A_1644 = arith.constant 8320128 : i32
      %add3A_1645 = vector.broadcast %add3A_1644 : i32 to vector<16xi32>
      %add3A_1646 = arith.addi %add3A_1529, %add3A_1645 : vector<16xi32>
      %swap3A_1647 = arith.index_cast %add3A_1643 : i32 to index
      %swap3A_1648 = arith.constant 112 : index
      %swap3A_1649 = tpu.vector_load %arg6[%swap3A_1647, %swap3A_1648] {strides = array<i32>} : memref<416x128xi32, #tpu.memory_space<vmem>>, vector<16xi32>,
      tpu.vector_store %arg6[%swap3A_1647, %swap3A_1648], %add3A_1646 {strides = array<i32>} : memref<416x128xi32, #tpu.memory_space<vmem>>, vector<16xi32>,
      %mul3A_1650 = arith.constant 16 : i32
      %mul3A_1651 = arith.muli %scan3A_19, %mul3A_1650 : i32
      %add3A_1652 = arith.constant 8 : i32
      %add3A_1653 = arith.addi %mul3A_1651, %add3A_1652 : i32
      %add3A_1654 = arith.constant 2 : i32
      %add3A_1655 = arith.addi %add3A_1653, %add3A_1654 : i32
      %add3A_1656 = arith.constant 8320256 : i32
      %add3A_1657 = vector.broadcast %add3A_1656 : i32 to vector<16xi32>
      %add3A_1658 = arith.addi %add3A_1529, %add3A_1657 : vector<16xi32>
      %swap3A_1659 = arith.index_cast %add3A_1655 : i32 to index
      %swap3A_1660 = arith.constant 112 : index
      %swap3A_1661 = tpu.vector_load %arg6[%swap3A_1659, %swap3A_1660] {strides = array<i32>} : memref<416x128xi32, #tpu.memory_space<vmem>>, vector<16xi32>,
      tpu.vector_store %arg6[%swap3A_1659, %swap3A_1660], %add3A_1658 {strides = array<i32>} : memref<416x128xi32, #tpu.memory_space<vmem>>, vector<16xi32>,
      %mul3A_1662 = arith.constant 16 : i32
      %mul3A_1663 = arith.muli %scan3A_19, %mul3A_1662 : i32
      %add3A_1664 = arith.constant 8 : i32
      %add3A_1665 = arith.addi %mul3A_1663, %add3A_1664 : i32
      %add3A_1666 = arith.constant 3 : i32
      %add3A_1667 = arith.addi %add3A_1665, %add3A_1666 : i32
      %add3A_1668 = arith.constant 8320384 : i32
      %add3A_1669 = vector.broadcast %add3A_1668 : i32 to vector<16xi32>
      %add3A_1670 = arith.addi %add3A_1529, %add3A_1669 : vector<16xi32>
      %swap3A_1671 = arith.index_cast %add3A_1667 : i32 to index
      %swap3A_1672 = arith.constant 112 : index
      %swap3A_1673 = tpu.vector_load %arg6[%swap3A_1671, %swap3A_1672] {strides = array<i32>} : memref<416x128xi32, #tpu.memory_space<vmem>>, vector<16xi32>,
      tpu.vector_store %arg6[%swap3A_1671, %swap3A_1672], %add3A_1670 {strides = array<i32>} : memref<416x128xi32, #tpu.memory_space<vmem>>, vector<16xi32>,
      %mul3A_1674 = arith.constant 16 : i32
      %mul3A_1675 = arith.muli %scan3A_19, %mul3A_1674 : i32
      %add3A_1676 = arith.constant 8 : i32
      %add3A_1677 = arith.addi %mul3A_1675, %add3A_1676 : i32
      %add3A_1678 = arith.constant 4 : i32
      %add3A_1679 = arith.addi %add3A_1677, %add3A_1678 : i32
      %add3A_1680 = arith.constant 8320512 : i32
      %add3A_1681 = vector.broadcast %add3A_1680 : i32 to vector<16xi32>
      %add3A_1682 = arith.addi %add3A_1529, %add3A_1681 : vector<16xi32>
      %swap3A_1683 = arith.index_cast %add3A_1679 : i32 to index
      %swap3A_1684 = arith.constant 112 : index
      %swap3A_1685 = tpu.vector_load %arg6[%swap3A_1683, %swap3A_1684] {strides = array<i32>} : memref<416x128xi32, #tpu.memory_space<vmem>>, vector<16xi32>,
      tpu.vector_store %arg6[%swap3A_1683, %swap3A_1684], %add3A_1682 {strides = array<i32>} : memref<416x128xi32, #tpu.memory_space<vmem>>, vector<16xi32>,
      %mul3A_1686 = arith.constant 16 : i32
      %mul3A_1687 = arith.muli %scan3A_19, %mul3A_1686 : i32
      %add3A_1688 = arith.constant 8 : i32
      %add3A_1689 = arith.addi %mul3A_1687, %add3A_1688 : i32
      %add3A_1690 = arith.constant 5 : i32
      %add3A_1691 = arith.addi %add3A_1689, %add3A_1690 : i32
      %add3A_1692 = arith.constant 8320640 : i32
      %add3A_1693 = vector.broadcast %add3A_1692 : i32 to vector<16xi32>
      %add3A_1694 = arith.addi %add3A_1529, %add3A_1693 : vector<16xi32>
      %swap3A_1695 = arith.index_cast %add3A_1691 : i32 to index
      %swap3A_1696 = arith.constant 112 : index
      %swap3A_1697 = tpu.vector_load %arg6[%swap3A_1695, %swap3A_1696] {strides = array<i32>} : memref<416x128xi32, #tpu.memory_space<vmem>>, vector<16xi32>,
      tpu.vector_store %arg6[%swap3A_1695, %swap3A_1696], %add3A_1694 {strides = array<i32>} : memref<416x128xi32, #tpu.memory_space<vmem>>, vector<16xi32>,
      %mul3A_1698 = arith.constant 16 : i32
      %mul3A_1699 = arith.muli %scan3A_19, %mul3A_1698 : i32
      %add3A_1700 = arith.constant 8 : i32
      %add3A_1701 = arith.addi %mul3A_1699, %add3A_1700 : i32
      %add3A_1702 = arith.constant 6 : i32
      %add3A_1703 = arith.addi %add3A_1701, %add3A_1702 : i32
      %add3A_1704 = arith.constant 8320768 : i32
      %add3A_1705 = vector.broadcast %add3A_1704 : i32 to vector<16xi32>
      %add3A_1706 = arith.addi %add3A_1529, %add3A_1705 : vector<16xi32>
      %swap3A_1707 = arith.index_cast %add3A_1703 : i32 to index
      %swap3A_1708 = arith.constant 112 : index
      %swap3A_1709 = tpu.vector_load %arg6[%swap3A_1707, %swap3A_1708] {strides = array<i32>} : memref<416x128xi32, #tpu.memory_space<vmem>>, vector<16xi32>,
      tpu.vector_store %arg6[%swap3A_1707, %swap3A_1708], %add3A_1706 {strides = array<i32>} : memref<416x128xi32, #tpu.memory_space<vmem>>, vector<16xi32>,
      %mul3A_1710 = arith.constant 16 : i32
      %mul3A_1711 = arith.muli %scan3A_19, %mul3A_1710 : i32
      %add3A_1712 = arith.constant 8 : i32
      %add3A_1713 = arith.addi %mul3A_1711, %add3A_1712 : i32
      %add3A_1714 = arith.constant 7 : i32
      %add3A_1715 = arith.addi %add3A_1713, %add3A_1714 : i32
      %add3A_1716 = arith.constant 8320896 : i32
      %add3A_1717 = vector.broadcast %add3A_1716 : i32 to vector<16xi32>
      %add3A_1718 = arith.addi %add3A_1529, %add3A_1717 : vector<16xi32>
      %swap3A_1719 = arith.index_cast %add3A_1715 : i32 to index
      %swap3A_1720 = arith.constant 112 : index
      %swap3A_1721 = tpu.vector_load %arg6[%swap3A_1719, %swap3A_1720] {strides = array<i32>} : memref<416x128xi32, #tpu.memory_space<vmem>>, vector<16xi32>,
      tpu.vector_store %arg6[%swap3A_1719, %swap3A_1720], %add3A_1718 {strides = array<i32>} : memref<416x128xi32, #tpu.memory_space<vmem>>, vector<16xi32>,
      %mul3A_1722 = arith.constant 16 : i32
      %mul3A_1723 = arith.muli %scan3A_19, %mul3A_1722 : i32
      %add3A_1724 = arith.constant 0 : i32
      %add3A_1725 = arith.addi %mul3A_1723, %add3A_1724 : i32
      %mul3A_1726 = arith.constant 128 : i32
      %mul3A_1727 = arith.muli %add3A_1725, %mul3A_1726 : i32
      %dma_start3A = tpu.memref_slice %arg7[%mul3A_1727] : memref<53248xf32, #tpu.memory_space<vmem>> -> memref<128xf32, #tpu.memory_space<vmem>>
      %dma_start3A_1728 = arith.constant 0 : i32
      %dma_start3A_1729 = tpu.memref_slice %arg6[%add3A_1725, %dma_start3A_1728] : memref<416x128xi32, #tpu.memory_space<vmem>> -> memref<1x128xi32, #tpu.memory_space<vmem>>
      %dma_start3A_1730 = tpu.memref_squeeze %dma_start3A_1729 : memref<1x128xi32, #tpu.memory_space<vmem>> -> memref<128xi32, #tpu.memory_space<vmem>>
      %dma_start3A_1731 = arith.constant 0 : i32
      %dma_start3A_1732 = tpu.memref_slice %arg3[%dma_start3A_1731] : memref<16640000xf32, #tpu.memory_space<hbm>> -> memref<16640000xf32, #tpu.memory_space<hbm>>
      tpu.enqueue_indirect_dma source(%dma_start3A_1732 : memref<16640000xf32, #tpu.memory_space<hbm>>) target(%dma_start3A : memref<128xf32, #tpu.memory_space<vmem>>) offsets(%dma_start3A_1730 : memref<128xi32, #tpu.memory_space<vmem>>) semaphore(%arg8 : memref<!tpu.dma_semaphore, #tpu.memory_space<semaphore_mem>>)
      %mul3A_1733 = arith.constant 16 : i32
      %mul3A_1734 = arith.muli %scan3A_19, %mul3A_1733 : i32
      %add3A_1735 = arith.constant 1 : i32
      %add3A_1736 = arith.addi %mul3A_1734, %add3A_1735 : i32
      %mul3A_1737 = arith.constant 128 : i32
      %mul3A_1738 = arith.muli %add3A_1736, %mul3A_1737 : i32
      %dma_start3A_1739 = tpu.memref_slice %arg7[%mul3A_1738] : memref<53248xf32, #tpu.memory_space<vmem>> -> memref<128xf32, #tpu.memory_space<vmem>>
      %dma_start3A_1740 = arith.constant 0 : i32
      %dma_start3A_1741 = tpu.memref_slice %arg6[%add3A_1736, %dma_start3A_1740] : memref<416x128xi32, #tpu.memory_space<vmem>> -> memref<1x128xi32, #tpu.memory_space<vmem>>
      %dma_start3A_1742 = tpu.memref_squeeze %dma_start3A_1741 : memref<1x128xi32, #tpu.memory_space<vmem>> -> memref<128xi32, #tpu.memory_space<vmem>>
      %dma_start3A_1743 = arith.constant 0 : i32
      %dma_start3A_1744 = tpu.memref_slice %arg3[%dma_start3A_1743] : memref<16640000xf32, #tpu.memory_space<hbm>> -> memref<16640000xf32, #tpu.memory_space<hbm>>
      tpu.enqueue_indirect_dma source(%dma_start3A_1744 : memref<16640000xf32, #tpu.memory_space<hbm>>) target(%dma_start3A_1739 : memref<128xf32, #tpu.memory_space<vmem>>) offsets(%dma_start3A_1742 : memref<128xi32, #tpu.memory_space<vmem>>) semaphore(%arg8 : memref<!tpu.dma_semaphore, #tpu.memory_space<semaphore_mem>>)
      %mul3A_1745 = arith.constant 16 : i32
      %mul3A_1746 = arith.muli %scan3A_19, %mul3A_1745 : i32
      %add3A_1747 = arith.constant 2 : i32
      %add3A_1748 = arith.addi %mul3A_1746, %add3A_1747 : i32
      %mul3A_1749 = arith.constant 128 : i32
      %mul3A_1750 = arith.muli %add3A_1748, %mul3A_1749 : i32
      %dma_start3A_1751 = tpu.memref_slice %arg7[%mul3A_1750] : memref<53248xf32, #tpu.memory_space<vmem>> -> memref<128xf32, #tpu.memory_space<vmem>>
      %dma_start3A_1752 = arith.constant 0 : i32
      %dma_start3A_1753 = tpu.memref_slice %arg6[%add3A_1748, %dma_start3A_1752] : memref<416x128xi32, #tpu.memory_space<vmem>> -> memref<1x128xi32, #tpu.memory_space<vmem>>
      %dma_start3A_1754 = tpu.memref_squeeze %dma_start3A_1753 : memref<1x128xi32, #tpu.memory_space<vmem>> -> memref<128xi32, #tpu.memory_space<vmem>>
      %dma_start3A_1755 = arith.constant 0 : i32
      %dma_start3A_1756 = tpu.memref_slice %arg3[%dma_start3A_1755] : memref<16640000xf32, #tpu.memory_space<hbm>> -> memref<16640000xf32, #tpu.memory_space<hbm>>
      tpu.enqueue_indirect_dma source(%dma_start3A_1756 : memref<16640000xf32, #tpu.memory_space<hbm>>) target(%dma_start3A_1751 : memref<128xf32, #tpu.memory_space<vmem>>) offsets(%dma_start3A_1754 : memref<128xi32, #tpu.memory_space<vmem>>) semaphore(%arg8 : memref<!tpu.dma_semaphore, #tpu.memory_space<semaphore_mem>>)
      %mul3A_1757 = arith.constant 16 : i32
      %mul3A_1758 = arith.muli %scan3A_19, %mul3A_1757 : i32
      %add3A_1759 = arith.constant 3 : i32
      %add3A_1760 = arith.addi %mul3A_1758, %add3A_1759 : i32
      %mul3A_1761 = arith.constant 128 : i32
      %mul3A_1762 = arith.muli %add3A_1760, %mul3A_1761 : i32
      %dma_start3A_1763 = tpu.memref_slice %arg7[%mul3A_1762] : memref<53248xf32, #tpu.memory_space<vmem>> -> memref<128xf32, #tpu.memory_space<vmem>>
      %dma_start3A_1764 = arith.constant 0 : i32
      %dma_start3A_1765 = tpu.memref_slice %arg6[%add3A_1760, %dma_start3A_1764] : memref<416x128xi32, #tpu.memory_space<vmem>> -> memref<1x128xi32, #tpu.memory_space<vmem>>
      %dma_start3A_1766 = tpu.memref_squeeze %dma_start3A_1765 : memref<1x128xi32, #tpu.memory_space<vmem>> -> memref<128xi32, #tpu.memory_space<vmem>>
      %dma_start3A_1767 = arith.constant 0 : i32
      %dma_start3A_1768 = tpu.memref_slice %arg3[%dma_start3A_1767] : memref<16640000xf32, #tpu.memory_space<hbm>> -> memref<16640000xf32, #tpu.memory_space<hbm>>
      tpu.enqueue_indirect_dma source(%dma_start3A_1768 : memref<16640000xf32, #tpu.memory_space<hbm>>) target(%dma_start3A_1763 : memref<128xf32, #tpu.memory_space<vmem>>) offsets(%dma_start3A_1766 : memref<128xi32, #tpu.memory_space<vmem>>) semaphore(%arg8 : memref<!tpu.dma_semaphore, #tpu.memory_space<semaphore_mem>>)
      %mul3A_1769 = arith.constant 16 : i32
      %mul3A_1770 = arith.muli %scan3A_19, %mul3A_1769 : i32
      %add3A_1771 = arith.constant 4 : i32
      %add3A_1772 = arith.addi %mul3A_1770, %add3A_1771 : i32
      %mul3A_1773 = arith.constant 128 : i32
      %mul3A_1774 = arith.muli %add3A_1772, %mul3A_1773 : i32
      %dma_start3A_1775 = tpu.memref_slice %arg7[%mul3A_1774] : memref<53248xf32, #tpu.memory_space<vmem>> -> memref<128xf32, #tpu.memory_space<vmem>>
      %dma_start3A_1776 = arith.constant 0 : i32
      %dma_start3A_1777 = tpu.memref_slice %arg6[%add3A_1772, %dma_start3A_1776] : memref<416x128xi32, #tpu.memory_space<vmem>> -> memref<1x128xi32, #tpu.memory_space<vmem>>
      %dma_start3A_1778 = tpu.memref_squeeze %dma_start3A_1777 : memref<1x128xi32, #tpu.memory_space<vmem>> -> memref<128xi32, #tpu.memory_space<vmem>>
      %dma_start3A_1779 = arith.constant 0 : i32
      %dma_start3A_1780 = tpu.memref_slice %arg3[%dma_start3A_1779] : memref<16640000xf32, #tpu.memory_space<hbm>> -> memref<16640000xf32, #tpu.memory_space<hbm>>
      tpu.enqueue_indirect_dma source(%dma_start3A_1780 : memref<16640000xf32, #tpu.memory_space<hbm>>) target(%dma_start3A_1775 : memref<128xf32, #tpu.memory_space<vmem>>) offsets(%dma_start3A_1778 : memref<128xi32, #tpu.memory_space<vmem>>) semaphore(%arg8 : memref<!tpu.dma_semaphore, #tpu.memory_space<semaphore_mem>>)
      %mul3A_1781 = arith.constant 16 : i32
      %mul3A_1782 = arith.muli %scan3A_19, %mul3A_1781 : i32
      %add3A_1783 = arith.constant 5 : i32
      %add3A_1784 = arith.addi %mul3A_1782, %add3A_1783 : i32
      %mul3A_1785 = arith.constant 128 : i32
      %mul3A_1786 = arith.muli %add3A_1784, %mul3A_1785 : i32
      %dma_start3A_1787 = tpu.memref_slice %arg7[%mul3A_1786] : memref<53248xf32, #tpu.memory_space<vmem>> -> memref<128xf32, #tpu.memory_space<vmem>>
      %dma_start3A_1788 = arith.constant 0 : i32
      %dma_start3A_1789 = tpu.memref_slice %arg6[%add3A_1784, %dma_start3A_1788] : memref<416x128xi32, #tpu.memory_space<vmem>> -> memref<1x128xi32, #tpu.memory_space<vmem>>
      %dma_start3A_1790 = tpu.memref_squeeze %dma_start3A_1789 : memref<1x128xi32, #tpu.memory_space<vmem>> -> memref<128xi32, #tpu.memory_space<vmem>>
      %dma_start3A_1791 = arith.constant 0 : i32
      %dma_start3A_1792 = tpu.memref_slice %arg3[%dma_start3A_1791] : memref<16640000xf32, #tpu.memory_space<hbm>> -> memref<16640000xf32, #tpu.memory_space<hbm>>
      tpu.enqueue_indirect_dma source(%dma_start3A_1792 : memref<16640000xf32, #tpu.memory_space<hbm>>) target(%dma_start3A_1787 : memref<128xf32, #tpu.memory_space<vmem>>) offsets(%dma_start3A_1790 : memref<128xi32, #tpu.memory_space<vmem>>) semaphore(%arg8 : memref<!tpu.dma_semaphore, #tpu.memory_space<semaphore_mem>>)
      %mul3A_1793 = arith.constant 16 : i32
      %mul3A_1794 = arith.muli %scan3A_19, %mul3A_1793 : i32
      %add3A_1795 = arith.constant 6 : i32
      %add3A_1796 = arith.addi %mul3A_1794, %add3A_1795 : i32
      %mul3A_1797 = arith.constant 128 : i32
      %mul3A_1798 = arith.muli %add3A_1796, %mul3A_1797 : i32
      %dma_start3A_1799 = tpu.memref_slice %arg7[%mul3A_1798] : memref<53248xf32, #tpu.memory_space<vmem>> -> memref<128xf32, #tpu.memory_space<vmem>>
      %dma_start3A_1800 = arith.constant 0 : i32
      %dma_start3A_1801 = tpu.memref_slice %arg6[%add3A_1796, %dma_start3A_1800] : memref<416x128xi32, #tpu.memory_space<vmem>> -> memref<1x128xi32, #tpu.memory_space<vmem>>
      %dma_start3A_1802 = tpu.memref_squeeze %dma_start3A_1801 : memref<1x128xi32, #tpu.memory_space<vmem>> -> memref<128xi32, #tpu.memory_space<vmem>>
      %dma_start3A_1803 = arith.constant 0 : i32
      %dma_start3A_1804 = tpu.memref_slice %arg3[%dma_start3A_1803] : memref<16640000xf32, #tpu.memory_space<hbm>> -> memref<16640000xf32, #tpu.memory_space<hbm>>
      tpu.enqueue_indirect_dma source(%dma_start3A_1804 : memref<16640000xf32, #tpu.memory_space<hbm>>) target(%dma_start3A_1799 : memref<128xf32, #tpu.memory_space<vmem>>) offsets(%dma_start3A_1802 : memref<128xi32, #tpu.memory_space<vmem>>) semaphore(%arg8 : memref<!tpu.dma_semaphore, #tpu.memory_space<semaphore_mem>>)
      %mul3A_1805 = arith.constant 16 : i32
      %mul3A_1806 = arith.muli %scan3A_19, %mul3A_1805 : i32
      %add3A_1807 = arith.constant 7 : i32
      %add3A_1808 = arith.addi %mul3A_1806, %add3A_1807 : i32
      %mul3A_1809 = arith.constant 128 : i32
      %mul3A_1810 = arith.muli %add3A_1808, %mul3A_1809 : i32
      %dma_start3A_1811 = tpu.memref_slice %arg7[%mul3A_1810] : memref<53248xf32, #tpu.memory_space<vmem>> -> memref<128xf32, #tpu.memory_space<vmem>>
      %dma_start3A_1812 = arith.constant 0 : i32
      %dma_start3A_1813 = tpu.memref_slice %arg6[%add3A_1808, %dma_start3A_1812] : memref<416x128xi32, #tpu.memory_space<vmem>> -> memref<1x128xi32, #tpu.memory_space<vmem>>
      %dma_start3A_1814 = tpu.memref_squeeze %dma_start3A_1813 : memref<1x128xi32, #tpu.memory_space<vmem>> -> memref<128xi32, #tpu.memory_space<vmem>>
      %dma_start3A_1815 = arith.constant 0 : i32
      %dma_start3A_1816 = tpu.memref_slice %arg3[%dma_start3A_1815] : memref<16640000xf32, #tpu.memory_space<hbm>> -> memref<16640000xf32, #tpu.memory_space<hbm>>
      tpu.enqueue_indirect_dma source(%dma_start3A_1816 : memref<16640000xf32, #tpu.memory_space<hbm>>) target(%dma_start3A_1811 : memref<128xf32, #tpu.memory_space<vmem>>) offsets(%dma_start3A_1814 : memref<128xi32, #tpu.memory_space<vmem>>) semaphore(%arg8 : memref<!tpu.dma_semaphore, #tpu.memory_space<semaphore_mem>>)
      %mul3A_1817 = arith.constant 16 : i32
      %mul3A_1818 = arith.muli %scan3A_19, %mul3A_1817 : i32
      %add3A_1819 = arith.constant 8 : i32
      %add3A_1820 = arith.addi %mul3A_1818, %add3A_1819 : i32
      %mul3A_1821 = arith.constant 128 : i32
      %mul3A_1822 = arith.muli %add3A_1820, %mul3A_1821 : i32
      %dma_start3A_1823 = tpu.memref_slice %arg7[%mul3A_1822] : memref<53248xf32, #tpu.memory_space<vmem>> -> memref<128xf32, #tpu.memory_space<vmem>>
      %dma_start3A_1824 = arith.constant 0 : i32
      %dma_start3A_1825 = tpu.memref_slice %arg6[%add3A_1820, %dma_start3A_1824] : memref<416x128xi32, #tpu.memory_space<vmem>> -> memref<1x128xi32, #tpu.memory_space<vmem>>
      %dma_start3A_1826 = tpu.memref_squeeze %dma_start3A_1825 : memref<1x128xi32, #tpu.memory_space<vmem>> -> memref<128xi32, #tpu.memory_space<vmem>>
      %dma_start3A_1827 = arith.constant 0 : i32
      %dma_start3A_1828 = tpu.memref_slice %arg3[%dma_start3A_1827] : memref<16640000xf32, #tpu.memory_space<hbm>> -> memref<16640000xf32, #tpu.memory_space<hbm>>
      tpu.enqueue_indirect_dma source(%dma_start3A_1828 : memref<16640000xf32, #tpu.memory_space<hbm>>) target(%dma_start3A_1823 : memref<128xf32, #tpu.memory_space<vmem>>) offsets(%dma_start3A_1826 : memref<128xi32, #tpu.memory_space<vmem>>) semaphore(%arg8 : memref<!tpu.dma_semaphore, #tpu.memory_space<semaphore_mem>>)
      %mul3A_1829 = arith.constant 16 : i32
      %mul3A_1830 = arith.muli %scan3A_19, %mul3A_1829 : i32
      %add3A_1831 = arith.constant 9 : i32
      %add3A_1832 = arith.addi %mul3A_1830, %add3A_1831 : i32
      %mul3A_1833 = arith.constant 128 : i32
      %mul3A_1834 = arith.muli %add3A_1832, %mul3A_1833 : i32
      %dma_start3A_1835 = tpu.memref_slice %arg7[%mul3A_1834] : memref<53248xf32, #tpu.memory_space<vmem>> -> memref<128xf32, #tpu.memory_space<vmem>>
      %dma_start3A_1836 = arith.constant 0 : i32
      %dma_start3A_1837 = tpu.memref_slice %arg6[%add3A_1832, %dma_start3A_1836] : memref<416x128xi32, #tpu.memory_space<vmem>> -> memref<1x128xi32, #tpu.memory_space<vmem>>
      %dma_start3A_1838 = tpu.memref_squeeze %dma_start3A_1837 : memref<1x128xi32, #tpu.memory_space<vmem>> -> memref<128xi32, #tpu.memory_space<vmem>>
      %dma_start3A_1839 = arith.constant 0 : i32
      %dma_start3A_1840 = tpu.memref_slice %arg3[%dma_start3A_1839] : memref<16640000xf32, #tpu.memory_space<hbm>> -> memref<16640000xf32, #tpu.memory_space<hbm>>
      tpu.enqueue_indirect_dma source(%dma_start3A_1840 : memref<16640000xf32, #tpu.memory_space<hbm>>) target(%dma_start3A_1835 : memref<128xf32, #tpu.memory_space<vmem>>) offsets(%dma_start3A_1838 : memref<128xi32, #tpu.memory_space<vmem>>) semaphore(%arg8 : memref<!tpu.dma_semaphore, #tpu.memory_space<semaphore_mem>>)
      %mul3A_1841 = arith.constant 16 : i32
      %mul3A_1842 = arith.muli %scan3A_19, %mul3A_1841 : i32
      %add3A_1843 = arith.constant 10 : i32
      %add3A_1844 = arith.addi %mul3A_1842, %add3A_1843 : i32
      %mul3A_1845 = arith.constant 128 : i32
      %mul3A_1846 = arith.muli %add3A_1844, %mul3A_1845 : i32
      %dma_start3A_1847 = tpu.memref_slice %arg7[%mul3A_1846] : memref<53248xf32, #tpu.memory_space<vmem>> -> memref<128xf32, #tpu.memory_space<vmem>>
      %dma_start3A_1848 = arith.constant 0 : i32
      %dma_start3A_1849 = tpu.memref_slice %arg6[%add3A_1844, %dma_start3A_1848] : memref<416x128xi32, #tpu.memory_space<vmem>> -> memref<1x128xi32, #tpu.memory_space<vmem>>
      %dma_start3A_1850 = tpu.memref_squeeze %dma_start3A_1849 : memref<1x128xi32, #tpu.memory_space<vmem>> -> memref<128xi32, #tpu.memory_space<vmem>>
      %dma_start3A_1851 = arith.constant 0 : i32
      %dma_start3A_1852 = tpu.memref_slice %arg3[%dma_start3A_1851] : memref<16640000xf32, #tpu.memory_space<hbm>> -> memref<16640000xf32, #tpu.memory_space<hbm>>
      tpu.enqueue_indirect_dma source(%dma_start3A_1852 : memref<16640000xf32, #tpu.memory_space<hbm>>) target(%dma_start3A_1847 : memref<128xf32, #tpu.memory_space<vmem>>) offsets(%dma_start3A_1850 : memref<128xi32, #tpu.memory_space<vmem>>) semaphore(%arg8 : memref<!tpu.dma_semaphore, #tpu.memory_space<semaphore_mem>>)
      %mul3A_1853 = arith.constant 16 : i32
      %mul3A_1854 = arith.muli %scan3A_19, %mul3A_1853 : i32
      %add3A_1855 = arith.constant 11 : i32
      %add3A_1856 = arith.addi %mul3A_1854, %add3A_1855 : i32
      %mul3A_1857 = arith.constant 128 : i32
      %mul3A_1858 = arith.muli %add3A_1856, %mul3A_1857 : i32
      %dma_start3A_1859 = tpu.memref_slice %arg7[%mul3A_1858] : memref<53248xf32, #tpu.memory_space<vmem>> -> memref<128xf32, #tpu.memory_space<vmem>>
      %dma_start3A_1860 = arith.constant 0 : i32
      %dma_start3A_1861 = tpu.memref_slice %arg6[%add3A_1856, %dma_start3A_1860] : memref<416x128xi32, #tpu.memory_space<vmem>> -> memref<1x128xi32, #tpu.memory_space<vmem>>
      %dma_start3A_1862 = tpu.memref_squeeze %dma_start3A_1861 : memref<1x128xi32, #tpu.memory_space<vmem>> -> memref<128xi32, #tpu.memory_space<vmem>>
      %dma_start3A_1863 = arith.constant 0 : i32
      %dma_start3A_1864 = tpu.memref_slice %arg3[%dma_start3A_1863] : memref<16640000xf32, #tpu.memory_space<hbm>> -> memref<16640000xf32, #tpu.memory_space<hbm>>
      tpu.enqueue_indirect_dma source(%dma_start3A_1864 : memref<16640000xf32, #tpu.memory_space<hbm>>) target(%dma_start3A_1859 : memref<128xf32, #tpu.memory_space<vmem>>) offsets(%dma_start3A_1862 : memref<128xi32, #tpu.memory_space<vmem>>) semaphore(%arg8 : memref<!tpu.dma_semaphore, #tpu.memory_space<semaphore_mem>>)
      %mul3A_1865 = arith.constant 16 : i32
      %mul3A_1866 = arith.muli %scan3A_19, %mul3A_1865 : i32
      %add3A_1867 = arith.constant 12 : i32
      %add3A_1868 = arith.addi %mul3A_1866, %add3A_1867 : i32
      %mul3A_1869 = arith.constant 128 : i32
      %mul3A_1870 = arith.muli %add3A_1868, %mul3A_1869 : i32
      %dma_start3A_1871 = tpu.memref_slice %arg7[%mul3A_1870] : memref<53248xf32, #tpu.memory_space<vmem>> -> memref<128xf32, #tpu.memory_space<vmem>>
      %dma_start3A_1872 = arith.constant 0 : i32
      %dma_start3A_1873 = tpu.memref_slice %arg6[%add3A_1868, %dma_start3A_1872] : memref<416x128xi32, #tpu.memory_space<vmem>> -> memref<1x128xi32, #tpu.memory_space<vmem>>
      %dma_start3A_1874 = tpu.memref_squeeze %dma_start3A_1873 : memref<1x128xi32, #tpu.memory_space<vmem>> -> memref<128xi32, #tpu.memory_space<vmem>>
      %dma_start3A_1875 = arith.constant 0 : i32
      %dma_start3A_1876 = tpu.memref_slice %arg3[%dma_start3A_1875] : memref<16640000xf32, #tpu.memory_space<hbm>> -> memref<16640000xf32, #tpu.memory_space<hbm>>
      tpu.enqueue_indirect_dma source(%dma_start3A_1876 : memref<16640000xf32, #tpu.memory_space<hbm>>) target(%dma_start3A_1871 : memref<128xf32, #tpu.memory_space<vmem>>) offsets(%dma_start3A_1874 : memref<128xi32, #tpu.memory_space<vmem>>) semaphore(%arg8 : memref<!tpu.dma_semaphore, #tpu.memory_space<semaphore_mem>>)
      %mul3A_1877 = arith.constant 16 : i32
      %mul3A_1878 = arith.muli %scan3A_19, %mul3A_1877 : i32
      %add3A_1879 = arith.constant 13 : i32
      %add3A_1880 = arith.addi %mul3A_1878, %add3A_1879 : i32
      %mul3A_1881 = arith.constant 128 : i32
      %mul3A_1882 = arith.muli %add3A_1880, %mul3A_1881 : i32
      %dma_start3A_1883 = tpu.memref_slice %arg7[%mul3A_1882] : memref<53248xf32, #tpu.memory_space<vmem>> -> memref<128xf32, #tpu.memory_space<vmem>>
      %dma_start3A_1884 = arith.constant 0 : i32
      %dma_start3A_1885 = tpu.memref_slice %arg6[%add3A_1880, %dma_start3A_1884] : memref<416x128xi32, #tpu.memory_space<vmem>> -> memref<1x128xi32, #tpu.memory_space<vmem>>
      %dma_start3A_1886 = tpu.memref_squeeze %dma_start3A_1885 : memref<1x128xi32, #tpu.memory_space<vmem>> -> memref<128xi32, #tpu.memory_space<vmem>>
      %dma_start3A_1887 = arith.constant 0 : i32
      %dma_start3A_1888 = tpu.memref_slice %arg3[%dma_start3A_1887] : memref<16640000xf32, #tpu.memory_space<hbm>> -> memref<16640000xf32, #tpu.memory_space<hbm>>
      tpu.enqueue_indirect_dma source(%dma_start3A_1888 : memref<16640000xf32, #tpu.memory_space<hbm>>) target(%dma_start3A_1883 : memref<128xf32, #tpu.memory_space<vmem>>) offsets(%dma_start3A_1886 : memref<128xi32, #tpu.memory_space<vmem>>) semaphore(%arg8 : memref<!tpu.dma_semaphore, #tpu.memory_space<semaphore_mem>>)
      %mul3A_1889 = arith.constant 16 : i32
      %mul3A_1890 = arith.muli %scan3A_19, %mul3A_1889 : i32
      %add3A_1891 = arith.constant 14 : i32
      %add3A_1892 = arith.addi %mul3A_1890, %add3A_1891 : i32
      %mul3A_1893 = arith.constant 128 : i32
      %mul3A_1894 = arith.muli %add3A_1892, %mul3A_1893 : i32
      %dma_start3A_1895 = tpu.memref_slice %arg7[%mul3A_1894] : memref<53248xf32, #tpu.memory_space<vmem>> -> memref<128xf32, #tpu.memory_space<vmem>>
      %dma_start3A_1896 = arith.constant 0 : i32
      %dma_start3A_1897 = tpu.memref_slice %arg6[%add3A_1892, %dma_start3A_1896] : memref<416x128xi32, #tpu.memory_space<vmem>> -> memref<1x128xi32, #tpu.memory_space<vmem>>
      %dma_start3A_1898 = tpu.memref_squeeze %dma_start3A_1897 : memref<1x128xi32, #tpu.memory_space<vmem>> -> memref<128xi32, #tpu.memory_space<vmem>>
      %dma_start3A_1899 = arith.constant 0 : i32
      %dma_start3A_1900 = tpu.memref_slice %arg3[%dma_start3A_1899] : memref<16640000xf32, #tpu.memory_space<hbm>> -> memref<16640000xf32, #tpu.memory_space<hbm>>
      tpu.enqueue_indirect_dma source(%dma_start3A_1900 : memref<16640000xf32, #tpu.memory_space<hbm>>) target(%dma_start3A_1895 : memref<128xf32, #tpu.memory_space<vmem>>) offsets(%dma_start3A_1898 : memref<128xi32, #tpu.memory_space<vmem>>) semaphore(%arg8 : memref<!tpu.dma_semaphore, #tpu.memory_space<semaphore_mem>>)
      %mul3A_1901 = arith.constant 16 : i32
      %mul3A_1902 = arith.muli %scan3A_19, %mul3A_1901 : i32
      %add3A_1903 = arith.constant 15 : i32
      %add3A_1904 = arith.addi %mul3A_1902, %add3A_1903 : i32
      %mul3A_1905 = arith.constant 128 : i32
      %mul3A_1906 = arith.muli %add3A_1904, %mul3A_1905 : i32
      %dma_start3A_1907 = tpu.memref_slice %arg7[%mul3A_1906] : memref<53248xf32, #tpu.memory_space<vmem>> -> memref<128xf32, #tpu.memory_space<vmem>>
      %dma_start3A_1908 = arith.constant 0 : i32
      %dma_start3A_1909 = tpu.memref_slice %arg6[%add3A_1904, %dma_start3A_1908] : memref<416x128xi32, #tpu.memory_space<vmem>> -> memref<1x128xi32, #tpu.memory_space<vmem>>
      %dma_start3A_1910 = tpu.memref_squeeze %dma_start3A_1909 : memref<1x128xi32, #tpu.memory_space<vmem>> -> memref<128xi32, #tpu.memory_space<vmem>>
      %dma_start3A_1911 = arith.constant 0 : i32
      %dma_start3A_1912 = tpu.memref_slice %arg3[%dma_start3A_1911] : memref<16640000xf32, #tpu.memory_space<hbm>> -> memref<16640000xf32, #tpu.memory_space<hbm>>
      tpu.enqueue_indirect_dma source(%dma_start3A_1912 : memref<16640000xf32, #tpu.memory_space<hbm>>) target(%dma_start3A_1907 : memref<128xf32, #tpu.memory_space<vmem>>) offsets(%dma_start3A_1910 : memref<128xi32, #tpu.memory_space<vmem>>) semaphore(%arg8 : memref<!tpu.dma_semaphore, #tpu.memory_space<semaphore_mem>>)
    }
    %scan3A_6 = arith.constant 26 : i32
    %dma_wait3A = arith.constant 0 : i32
    %dma_wait3A_7 = tpu.memref_slice %arg3[%dma_wait3A] : memref<16640000xf32, #tpu.memory_space<hbm>> -> memref<53248xf32, #tpu.memory_space<hbm>>
    %dma_wait3A_8 = arith.constant 0 : i32
    %dma_wait3A_9 = tpu.memref_slice %arg3[%dma_wait3A_8] : memref<16640000xf32, #tpu.memory_space<hbm>> -> memref<53248xf32, #tpu.memory_space<hbm>>
    tpu.wait_dma2 semaphore(%arg8 : memref<!tpu.dma_semaphore, #tpu.memory_space<semaphore_mem>>) src(%dma_wait3A_9 : memref<53248xf32, #tpu.memory_space<hbm>>) dst(%arg7 : memref<53248xf32, #tpu.memory_space<vmem>>)
    %scan3A_10 = arith.constant 0 : i32
    %scan3A_11 = arith.constant 26 : i32
    %scan3A_12 = arith.addi %scan3A_10, %scan3A_11 : i32
    %scan3A_13 = arith.constant 1 : i32
    scf.for %scan3A_19 = %scan3A_10 to %scan3A_12 step %scan3A_13  : i32 {
      %mul3A_20 = arith.constant 2 : i32
      %mul3A_21 = arith.muli %scan3A_19, %mul3A_20 : i32
      %add3A_22 = arith.constant 0 : i32
      %add3A_23 = arith.addi %mul3A_21, %add3A_22 : i32
      %mul3A_24 = arith.constant 1024 : i32
      %mul3A_25 = arith.muli %add3A_23, %mul3A_24 : i32
      %mul3A_26 = arith.constant 65536 : i32
      %mul3A_27 = arith.muli %scan3A_19, %mul3A_26 : i32
      %add3A_28 = arith.constant 0 : i32
      %add3A_29 = arith.addi %mul3A_27, %add3A_28 : i32
      %mul3A_30 = arith.constant 1024 : i32
      %mul3A_31 = arith.muli %add3A, %mul3A_30 : i32
      %add3A_32 = arith.addi %add3A_29, %mul3A_31 : i32
      %dma_start3A = tpu.memref_slice %arg7[%mul3A_25] : memref<53248xf32, #tpu.memory_space<vmem>> -> memref<1024xf32, #tpu.memory_space<vmem>>
      %dma_start3A_33 = tpu.memref_slice %arg4[%add3A_32] : memref<1703936xf32, #tpu.memory_space<hbm>> -> memref<1024xf32, #tpu.memory_space<hbm>>
      %dma_start3A_34 = tpu.memref_slice %arg4[%add3A_32] : memref<1703936xf32, #tpu.memory_space<hbm>> -> memref<1024xf32, #tpu.memory_space<hbm>>
      %dma_start3A_35 = tpu.memref_slice %arg7[%mul3A_25] : memref<53248xf32, #tpu.memory_space<vmem>> -> memref<1024xf32, #tpu.memory_space<vmem>>
      tpu.enqueue_dma source(%dma_start3A_35 : memref<1024xf32, #tpu.memory_space<vmem>>) target(%dma_start3A_34 : memref<1024xf32, #tpu.memory_space<hbm>>) target_semaphore(%arg9 : memref<!tpu.dma_semaphore, #tpu.memory_space<semaphore_mem>>)
      %mul3A_36 = arith.constant 2 : i32
      %mul3A_37 = arith.muli %scan3A_19, %mul3A_36 : i32
      %add3A_38 = arith.constant 1 : i32
      %add3A_39 = arith.addi %mul3A_37, %add3A_38 : i32
      %mul3A_40 = arith.constant 1024 : i32
      %mul3A_41 = arith.muli %add3A_39, %mul3A_40 : i32
      %mul3A_42 = arith.constant 65536 : i32
      %mul3A_43 = arith.muli %scan3A_19, %mul3A_42 : i32
      %add3A_44 = arith.constant 32768 : i32
      %add3A_45 = arith.addi %mul3A_43, %add3A_44 : i32
      %mul3A_46 = arith.constant 1024 : i32
      %mul3A_47 = arith.muli %add3A, %mul3A_46 : i32
      %add3A_48 = arith.addi %add3A_45, %mul3A_47 : i32
      %dma_start3A_49 = tpu.memref_slice %arg7[%mul3A_41] : memref<53248xf32, #tpu.memory_space<vmem>> -> memref<1024xf32, #tpu.memory_space<vmem>>
      %dma_start3A_50 = tpu.memref_slice %arg4[%add3A_48] : memref<1703936xf32, #tpu.memory_space<hbm>> -> memref<1024xf32, #tpu.memory_space<hbm>>
      %dma_start3A_51 = tpu.memref_slice %arg4[%add3A_48] : memref<1703936xf32, #tpu.memory_space<hbm>> -> memref<1024xf32, #tpu.memory_space<hbm>>
      %dma_start3A_52 = tpu.memref_slice %arg7[%mul3A_41] : memref<53248xf32, #tpu.memory_space<vmem>> -> memref<1024xf32, #tpu.memory_space<vmem>>
      tpu.enqueue_dma source(%dma_start3A_52 : memref<1024xf32, #tpu.memory_space<vmem>>) target(%dma_start3A_51 : memref<1024xf32, #tpu.memory_space<hbm>>) target_semaphore(%arg9 : memref<!tpu.dma_semaphore, #tpu.memory_space<semaphore_mem>>)
    }
    %scan3A_14 = arith.constant 26 : i32
    %dma_wait3A_15 = arith.constant 0 : i32
    %dma_wait3A_16 = tpu.memref_slice %arg4[%dma_wait3A_15] : memref<1703936xf32, #tpu.memory_space<hbm>> -> memref<53248xf32, #tpu.memory_space<hbm>>
    %dma_wait3A_17 = arith.constant 0 : i32
    %dma_wait3A_18 = tpu.memref_slice %arg4[%dma_wait3A_17] : memref<1703936xf32, #tpu.memory_space<hbm>> -> memref<53248xf32, #tpu.memory_space<hbm>>
    tpu.wait_dma2 semaphore(%arg9 : memref<!tpu.dma_semaphore, #tpu.memory_space<semaphore_mem>>) src(%arg7 : memref<53248xf32, #tpu.memory_space<vmem>>) dst(%dma_wait3A_18 : memref<53248xf32, #tpu.memory_space<hbm>>)
    return
  }
}

</mosaic_0001>

<sc_bundles>
// kernel: kernel.3.cloned.1.call-start
scs
__scs_entry_jumppad:
0x0: {  	(pc) =	sbr.rel $0x88, $3  }
0x1: {  	(tag) =	ssettag $0x0;
	lr =	simm.s32 $0x1  }
0x2: {  	[smem:$0x3F9F] =	sst lr;
	_ =	strace $0xD0000000  }
0x3: {  	_ = 	snop  }
0x4: {  	_ = 	snop  }
0x5: {  	_ = 	snop  }
0x6: {  	_ = 	snop  }
0x7: {  	_ = 	snop  }
__scs_overlays_trampoline_lowered:
0x8: {  	[smem:$0x3FAE] =	sst s0  }
0x9: {  	[smem:$0x3FAF] =	sst s1  }
0xa: {  	[smem:$0x3FB0] =	sst s2  }
0xb: {  	[smem:$0x3FB1] =	sst s3  }
0xc: {  	[smem:$0x3FB2] =	sst s4  }
0xd: {  	[smem:$0x3FB3] =	sst s5  }
0xe: {  	[smem:$0x3FB4] =	sst s6  }
0xf: {  	[smem:$0x3FB5] =	sst s7  }
0x10: {  	[smem:$0x3FB6] =	sst s8  }
0x11: {  	[smem:$0x3FB7] =	sst s9;
	s0 =	simm.s32 @!p0 $0x0  }
0x12: {  	s1 =	sld [smem:$0x3F9D];
	s0 =	simm.s32 @p0 $0x1  }
0x13: {  	[smem:$0x3FB8] =	sst s0;
	s0 =	simm.s32 @!p1 $0x0  }
0x14: {  	s2 =	sld [smem:$0x3F9C];
	s0 =	simm.s32 @p1 $0x1  }
0x15: {  	[smem:$0x3FB9] =	sst s0;
	s0 =	simm.s32 @!p2 $0x0  }
0x16: {  	s3 =	sld [smem:$0x3FDB];
	s0 =	simm.s32 @p2 $0x1  }
0x17: {  	s4 =	simm.s32 $0x1BF5;
	[smem:$0x3FBB] =	sst s0  }
0x18: {  	s0 =	sld [smem:$0x3F9E];
	_ =	swait.ge [sflag:s4], $0x0  }
0x19: {  	s7 =	sld [smem:$0x3F9F]  }
0x1a: {  	s8 =	sadd.s32 $0xFFFFE003, lr  }
0x1b: {  	s9 =	sadd.s32 $0xFFFFFEF7, lr;
	s5 =	simm.s32 $0xFFFFFFFF;
	p2 =	slt.u32 s8, $0xFFFFF086  }
0x1c: {  	p1 =	slt.u32 s9, $0xF7A;
	s5 =	simm.s32 @!p2 $0x0  }
0x1d: {  	s5 =	simm.s32 @p1 $0x1;
	p0 =	seq.s32 s7, s2  }
0x1e: {  	s7 =	smul.u32 @!p0 $0xF7A, s2;
	p2 =	seq.s32 @!p0 s5, $0x0  }
0x1f: {  	s9 =	smul.u32 $0xF7A, s1;
	s8 =	simm.s32 @!p0 $0x1BF5;
	p2 =	por !p2, p0  }
0x20: {  	[sflag:s8] =	ssyncset.s32 @!p0 $0xFFFFF086;
	s6 =	sadd.s32 @!p0 s3, s7;
	s7 =	simm.s32 @!p0 $0x108  }
0x21: {  	s3 =	sadd.s32 s3, s9;
	s6 =	sadd.s32 @!p0 $0x88, s6;
	s7 =	simm.s32 @p2 $0x1082  }
0x22: {  	[simem:s7], [sflag:s8] =	dma.local @!p0 [hbm:s6], $0xF7A  }
0x23: {  	s9 =	sor.u32 $0xD0000000, s2;
	s6 =	simm.s32 $0x108;
	_ =	swait.ge @!p0 [sflag:s8], $0x0  }
0x24: {  	s3 =	sadd.s32 $0x88, s3;
	s6 =	simm.s32 @!p1 $0x1082;
	[sflag:s4] =	ssyncset.s32 $0xFFFFF086  }
0x25: {  	[simem:s6], [sflag:s4] =	dma.local [hbm:s3], $0xF7A  }
0x26: {  	[smem:$0x3F9F] =	sst s1;
	(tag) =	ssettag s2;
	_ =	strace s9  }
0x27: {  	s1 =	sld [smem:$0x3FAF]  }
0x28: {  	s2 =	sld [smem:$0x3FB0]  }
0x29: {  	s4 =	sld [smem:$0x3FB2]  }
0x2a: {  	p0 =	seq.s32 s5, $0x0;
	s5 =	sld [smem:$0x3FB3]  }
0x2b: {  	s6 =	sld [smem:$0x3FB4]  }
0x2c: {  	s7 =	sld [smem:$0x3FB5]  }
0x2d: {  	s3 =	simm.s32 $0x108;
	s8 =	sld [smem:$0x3FB6]  }
0x2e: {  	s3 =	simm.s32 @!p0 $0x1082;
	s9 =	sld [smem:$0x3FB7]  }
0x2f: {  	lr =	sadd.s32 s0, s3;
	s0 =	sld [smem:$0x3FAE]  }
0x30: {  	s3 =	sld [smem:$0x3FB1]  }
0x31: {  	[smem:$0x3FBA] =	sst s10  }
0x32: {  	s10 =	sld [smem:$0x3FB8];
	_ =	sdelay $0x3  }
0x33: {  	p0 =	seq.s32 s10, $0x1;
	s10 =	sld [smem:$0x3FBA];
	_ =	sdelay $0x3  }
0x34: {  	[smem:$0x3FBA] =	sst s10  }
0x35: {  	s10 =	sld [smem:$0x3FB9];
	_ =	sdelay $0x3  }
0x36: {  	p1 =	seq.s32 s10, $0x1;
	s10 =	sld [smem:$0x3FBA];
	_ =	sdelay $0x3  }
0x37: {  	[smem:$0x3FBA] =	sst s10  }
0x38: {  	s10 =	sld [smem:$0x3FBB]  }
0x39: {  	_ = 	snop;
	(pc) =	sbr.ind lr, $3  }
0x3a: {  	_ = 	snop  }
0x3b: {  	_ = 	snop  }
0x3c: {  	p2 =	seq.s32 s10, $0x1;
	s10 =	sld [smem:$0x3FBA]  }
0x3d: {  	_ =	shalt  }
0x3e: {  	_ =	shalt  }
0x3f: {  	_ =	shalt  }
0x40: {  	_ =	shalt  }
0x41: {  	_ =	shalt  }
0x42: {  	_ =	shalt  }
0x43: {  	_ =	shalt  }
0x44: {  	_ =	shalt  }
0x45: {  	_ =	shalt  }
0x46: {  	_ =	shalt  }
0x47: {  	_ =	shalt  }
0x48: {  	_ =	shalt  }
0x49: {  	_ =	shalt  }
0x4a: {  	_ =	shalt  }
0x4b: {  	_ =	shalt  }
0x4c: {  	_ =	shalt  }
0x4d: {  	_ =	shalt  }
0x4e: {  	_ =	shalt  }
0x4f: {  	_ =	shalt  }
0x50: {  	_ =	shalt  }
0x51: {  	_ =	shalt  }
0x52: {  	_ =	shalt  }
0x53: {  	_ =	shalt  }
0x54: {  	_ =	shalt  }
0x55: {  	_ =	shalt  }
0x56: {  	_ =	shalt  }
0x57: {  	_ =	shalt  }
0x58: {  	_ =	shalt  }
0x59: {  	_ =	shalt  }
0x5a: {  	_ =	shalt  }
0x5b: {  	_ =	shalt  }
0x5c: {  	_ =	shalt  }
0x5d: {  	_ =	shalt  }
0x5e: {  	_ =	shalt  }
0x5f: {  	_ =	shalt  }
0x60: {  	_ =	shalt  }
0x61: {  	_ =	shalt  }
0x62: {  	_ =	shalt  }
0x63: {  	_ =	shalt  }
0x64: {  	_ =	shalt  }
0x65: {  	_ =	shalt  }
0x66: {  	_ =	shalt  }
0x67: {  	_ =	shalt  }
0x68: {  	_ =	shalt  }
0x69: {  	_ =	shalt  }
0x6a: {  	_ =	shalt  }
0x6b: {  	_ =	shalt  }
0x6c: {  	_ =	shalt  }
0x6d: {  	_ =	shalt  }
0x6e: {  	_ =	shalt  }
0x6f: {  	_ =	shalt  }
0x70: {  	_ =	shalt  }
0x71: {  	_ =	shalt  }
0x72: {  	_ =	shalt  }
0x73: {  	_ =	shalt  }
0x74: {  	_ =	shalt  }
0x75: {  	_ =	shalt  }
0x76: {  	_ =	shalt  }
0x77: {  	_ =	shalt  }
0x78: {  	_ =	shalt  }
0x79: {  	_ =	shalt  }
0x7a: {  	_ =	shalt  }
0x7b: {  	_ =	shalt  }
0x7c: {  	_ =	shalt  }
0x7d: {  	_ =	shalt  }
0x7e: {  	_ =	shalt  }
0x7f: {  	_ =	shalt  }
0x80: {  	_ =	shalt  }
0x81: {  	_ =	shalt  }
0x82: {  	_ =	shalt  }
0x83: {  	_ =	shalt  }
0x84: {  	_ =	shalt  }
0x85: {  	_ =	shalt  }
0x86: {  	_ =	shalt  }
0x87: {  	_ =	shalt  }
.Lfunc_end0:
.L_simem_size_0:
called_computation_lowered:
.L_overlay_start_0:
0x88: {  	s2 =	sld [smem:$0x3FD9]  }
0x89: {  	s3 =	sld [smem:$0x3FFE];
	_ =	sdelay $0x1  }
0x8a: {  	s1 =	srdreg.scid  }
0x8b: {  	s0 =	sand.u32 $0x1, s1  }
0x8c: {  	s17 =	sshll.u32 s0, $0xA;
	s2 =	sadd.s32 s3, s2  }
0x8d: {  	s2 =	sadd.s32 s2, s17  }
0x8e: {  	[smem:$0x3FC6] =	sst s2  }
0x8f: {  	_ = 	snop  }
0x90: {  	s2 =	sld [smem:$0x3FC8]  }
0x91: {  	s18 =	sld [smem:$0x3FD0];
	(tm) =	ssettm $0x1  }
0x92: {  	s4 =	sld [smem:$0x3FFB];
	_ =	sdelay $0x3  }
0x93: {  	_ =	strace s4  }
0x94: {  	s4 =	sld [smem:$0x3FFC];
	_ =	sdelay $0x3  }
0x95: {  	_ =	strace s4  }
0x96: {  	s4 =	sld [smem:$0x3FFD];
	_ =	sdelay $0x3  }
0x97: {  	_ =	strace s4  }
0x98: {  	_ =	strace $0x8FFFFFFF  }
0x99: {  	s19 =	sld [smem:$0x3FDB];
	_ =	sdelay $0x1  }
0x9a: {  	s5 =	simm.s32 $_scs_section_size  }
0x9b: {  	s6 =	simm.s32 $_size__tile_overlayer_lowered;
	s7 =	simm.s32 $_tile_overlayer_lowered  }
0x9c: {  	s22 =	simm.s32 $0x1BFF;
	s21 =	sshll.u32 s7, $0x1;
	s4 =	sadd.s32 s5, s19  }
0x9d: {  	s8 =	simm.s32 $0x0;
	s20 =	sshll.u32 s6, $0x1;
	s6 =	sadd.s32 s21, s4  }
0x9e: {  	[timem:s8], [sflag:s22] =	dma.local [hbm:s6], s20  }
0x9f: {  	_ =	swait.ge [sflag:s22], s20  }
0xa0: {  	s5 =	ssub.s32 $0x0, s20;
	[sflag:s22] =	ssyncset.done $0x0  }
0xa1: {  	[sflag:s22] =	ssyncadd.s32 s5;
	_ =	sdelay $0x1  }
0xa2: {  	s23 =	simm.s32 $0x1B8B  }
0xa3: {  	_ =	swait.ge [sflag:s23], $0x1  }
0xa4: {  	[sflag:s23] =	ssyncset.done $0x0  }
0xa5: {  	s25 =	simm.s32 $0x1B8E;
	s24 =	sld [smem:$0x3FFE];
	[sflag:s23] =	ssyncadd.s32 $0xFFFFFFFF  }
0xa6: {  	s26 =	simm.s32 $execute0_lowered;
	[smem:$0x3FD2] =	sst s25  }
0xa7: {  	s6 =	sshll.u32 s26, $0x1;
	_ =	strace $0x80000046;
	[dreg:$0x1] =	wrdreg $0xFFFFFFFF  }
0xa8: {  	s28 =	simm.s32 $_size_execute0_lowered;
	s4 =	sadd.s32 s4, s6;
	[dreg:$0x0] =	wrdreg $0x0  }
0xa9: {  	s6 =	sshll.u32 s28, $0x1;
	[dreg:$0x2] =	wrdreg s4  }
0xaa: {  	[dreg:$0x3] =	wrdreg s6  }
0xab: {  	[dreg:$0x4] =	wrdreg $0xC0  }
0xac: {  	_ =	task [dreg:s8], $0x5FFFF  }
0xad: {  	[dreg:$0x1] =	wrdreg $0xFFFFFFFF  }
0xae: {  	[dreg:$0x0] =	wrdreg $0x60  }
0xaf: {  	[dreg:$0x2] =	wrdreg s24  }
0xb0: {  	[dreg:$0x3] =	wrdreg s2  }
0xb1: {  	[dreg:$0x4] =	wrdreg s18  }
0xb2: {  	[dreg:$0x5] =	wrdreg $0x9  }
0xb3: {  	_ =	task.clear_ibuf [dreg:s8], $0x6FFFF;
	_ =	strace $0x90000046  }
0xb4: {  	s29 =	simm.s32 $0x9;
	_ =	strace $0x80000048  }
0xb5: {  	_ =	swait.ge [sflag:s29], $0x1  }
0xb6: {  	[sflag:s29] =	ssyncadd.s32 $0xFFFFFFFF  }
0xb7: {  	_ =	strace $0x90000048  }
0xb8: {  	_ =	sfence  }
0xb9: {  	s30 =	sld [smem:$0x0];
	_ =	sdelay $0x2  }
0xba: {  	s31 =	sshll.u32 s1, $0xD;
	s1 =	sshrl.u32 s1, $0x2  }
0xbb: {  	s3 =	sand.u32 $0x4000, s31;
	s1 =	sadd.s32 s1, s30  }
0xbc: {  	s0 =	sor.u32 s3, s0;
	s1 =	sshll.u32 s1, $0x11  }
0xbd: {  	s0 =	sor.u32 s1, s0  }
0xbe: {  	s0 =	sadd.s32 $0x8F2B, s0  }
0xbf: {  	[sflag:s0] =	ssyncadd.remote.s32 $0x1  }
0xc0: {  	_ =	sfence.sel $0xFFFF  }
0xc1: {  	[dreg:$0x0] =	wrdreg $0xFFFFFFFF;
	(pc) =	sbr.abs _section_cstart, $3  }
0xc2: {  	[dreg:$0x1] =	wrdreg $0xFFFFFFFF  }
0xc3: {  	_ =	task.clear_ibuf [dreg:s8], $0x2FFFF;
	_ =	strace $0x9FFFFFFF  }
0xc4: {  	(tm) =	ssettm $0x7FFFFFFF  }
0xc5: {  	_ =	shalt  }
tec
execute0_lowered:
.L_overlay_start_1:
0x0: {  	(tag) =	ssettag $0x1  }
0x1: {  	s4 =	rddreg [dreg:$0x0];
	s1 =	srdreg.scid  }
0x2: {  	s0 =	stileid.u32;
	s2 =	rddreg [dreg:$0x1]  }
0x3: {  	s7 =	rddreg [dreg:$0x2];
	s3 =	simm.s32 $0x0;
	s9 =	simm.s32 $0x1  }
0x4: {  	s10 =	simm.s32 $0x2;
	s6 =	sand.u32 $0x1, s1;
	s1 =	rddreg [dreg:$0x3]  }
0x5: {  	v0 =	vlaneseq.u32;
	s11 =	simm.s32 $0x0;
	s29 =	sshll.u32 s0, $0x1;
	[smem:$0x7FF] =	sst s3  }
0x6: {  	v0 =	vmul.u32 $0x1A, v0;
	s31 =	sshll.u32 s0, $0x8;
	s5 =	sor.u32 s6, s29;
	s8 =	ssub.s32 $0x2, s6  }
0x7: {  	s7 =	sadd.s32 s31, s7;
	s6 =	sshll.u32 s6, $0x7;
	s5 =	smul.u32 $0x1A0, s5  }
0x8: {  	_ =	strace $0x80000047;
	s30 =	sshrl.u32 s8, $0x1;
	v1 =	vadd.s32 $0x1A0, v0;
	s6 =	sadd.s32 s6, s7  }
0x9: {  	s7 =	simm.s32 $0x3;
	v2 =	vadd.s32 $0x340, v0;
	v3 =	vadd.s32 $0x4E0, v0;
	v4 =	vadd.s32 $0x680, v0;
	s4 =	sadd.s32 s5, s4;
	s5 =	ssub.s32 s8, s30  }
0xa: {  	v5 =	vadd.s32 $0x820, v0;
	v6 =	vadd.s32 $0x9C0, v0;
	v7 =	vadd.s32 $0xB60, v0;
	s8 =	simm.s32 $0x80;
	s4 =	sadd.s32 $0x400, s4;
	s5 =	smax.u32 s5, $0x1  }
.LBB2_1:
0xb: {  	[tilespmem:s3], [sflag:$0x3] =	stream.linear.gather [hbm4b:s4+s3], $0xD00, $0x38;
	[tilespmem:$0x1AD00] =	vst v63  }
0xc: {  	_ =	swait.ge [sflag:s7], $0xD00  }
0xd: {  	s12 =	simm.s32 $0x0;
	[sflag:s7] =	ssyncset.done $0x0  }
0xe: {  	s13 =	simm.s32 $0x0;
	s14 =	simm.s32 $0x0;
	[sflag:s7] =	ssyncadd.s32 $0xFFFFF300  }
.LBB2_2:
0xf: {  	v8 =	vadd.s32 s14, v0;
	_ =	sdelay $0x4  }
0x10: {  	v8 =	vld.idx.msk [tilespmem:v8+s3+$0x0], $0xffff;
	_ =	sdelay $0x4  }
0x11: {  	v8 =	vadd.s32 s12, v8  }
0x12: {  	v9 =	vshll.u32 v8, $0x3  }
0x13: {  	v8 =	vand.u32 $0x7F, v8;
	v9 =	vand.u32 $0xFFFFFC00, v9  }
0x14: {  	s15 =	sshra.s32 s13, $0x2;
	v8 =	vor.u32 v8, v9  }
0x15: {  	[tilespmem:s15+$0xD00] =	vst v8;
	v9 =	vor.u32 $0x80, v8  }
0x16: {  	v51 =	vor.u32 $0x100, v8;
	[tilespmem:s15+$0xD80] =	vst v9  }
0x17: {  	v52 =	vor.u32 $0x180, v8;
	[tilespmem:s15+$0xE00] =	vst v51  }
0x18: {  	v53 =	vor.u32 $0x200, v8;
	[tilespmem:s15+$0xE80] =	vst v52  }
0x19: {  	v54 =	vor.u32 $0x280, v8;
	[tilespmem:s15+$0xF00] =	vst v53  }
0x1a: {  	v55 =	vor.u32 $0x300, v8;
	[tilespmem:s15+$0xF80] =	vst v54  }
0x1b: {  	v56 =	vor.u32 $0x380, v8;
	[tilespmem:s15+$0x1000] =	vst v55  }
0x1c: {  	v57 =	vadd.s32 $0x7EF400, v8;
	[tilespmem:s15+$0x1080] =	vst v56  }
0x1d: {  	v58 =	vadd.s32 $0x7EF480, v8;
	[tilespmem:s15+$0x1100] =	vst v57  }
0x1e: {  	v59 =	vadd.s32 $0x7EF500, v8;
	[tilespmem:s15+$0x1180] =	vst v58  }
0x1f: {  	v60 =	vadd.s32 $0x7EF580, v8;
	[tilespmem:s15+$0x1200] =	vst v59  }
0x20: {  	v10 =	vadd.s32 s14, v1;
	v61 =	vadd.s32 $0x7EF600, v8;
	[tilespmem:s15+$0x1280] =	vst v60  }
0x21: {  	v62 =	vadd.s32 $0x7EF680, v8;
	[tilespmem:s15+$0x1300] =	vst v61  }
0x22: {  	v63 =	vadd.s32 $0x7EF700, v8;
	[tilespmem:s15+$0x1380] =	vst v62  }
0x23: {  	v8 =	vadd.s32 $0x7EF780, v8;
	[tilespmem:s15+$0x1400] =	vst v63  }
0x24: {  	[tilespmem:s15+$0x1480] =	vst v8  }
0x25: {  	v8 =	vld.idx.msk [tilespmem:v10+s3+$0x0], $0xffff;
	_ =	sdelay $0x4  }
0x26: {  	v8 =	vadd.s32 s12, v8  }
0x27: {  	v12 =	vshll.u32 v8, $0x3  }
0x28: {  	v8 =	vand.u32 $0x7F, v8;
	v9 =	vand.u32 $0xFFFFFC00, v12  }
0x29: {  	v8 =	vor.u32 v8, v9  }
0x2a: {  	[tilespmem:s15+$0xD10] =	vst v8;
	v9 =	vor.u32 $0x80, v8  }
0x2b: {  	v13 =	vor.u32 $0x100, v8;
	[tilespmem:s15+$0xD90] =	vst v9  }
0x2c: {  	v14 =	vor.u32 $0x180, v8;
	[tilespmem:s15+$0xE10] =	vst v13  }
0x2d: {  	v15 =	vor.u32 $0x200, v8;
	[tilespmem:s15+$0xE90] =	vst v14  }
0x2e: {  	v16 =	vor.u32 $0x280, v8;
	[tilespmem:s15+$0xF10] =	vst v15  }
0x2f: {  	v17 =	vor.u32 $0x300, v8;
	[tilespmem:s15+$0xF90] =	vst v16  }
0x30: {  	v18 =	vor.u32 $0x380, v8;
	[tilespmem:s15+$0x1010] =	vst v17  }
0x31: {  	v19 =	vadd.s32 $0x7EF400, v8;
	[tilespmem:s15+$0x1090] =	vst v18  }
0x32: {  	v20 =	vadd.s32 $0x7EF480, v8;
	[tilespmem:s15+$0x1110] =	vst v19  }
0x33: {  	v21 =	vadd.s32 $0x7EF500, v8;
	[tilespmem:s15+$0x1190] =	vst v20  }
0x34: {  	v22 =	vadd.s32 $0x7EF580, v8;
	[tilespmem:s15+$0x1210] =	vst v21  }
0x35: {  	v24 =	vadd.s32 s14, v2;
	v23 =	vadd.s32 $0x7EF600, v8;
	[tilespmem:s15+$0x1290] =	vst v22  }
0x36: {  	v25 =	vadd.s32 $0x7EF680, v8;
	[tilespmem:s15+$0x1310] =	vst v23  }
0x37: {  	v26 =	vadd.s32 $0x7EF700, v8;
	[tilespmem:s15+$0x1390] =	vst v25  }
0x38: {  	v8 =	vadd.s32 $0x7EF780, v8;
	[tilespmem:s15+$0x1410] =	vst v26  }
0x39: {  	[tilespmem:s15+$0x1490] =	vst v8  }
0x3a: {  	v8 =	vld.idx.msk [tilespmem:v24+s3+$0x0], $0xffff;
	_ =	sdelay $0x4  }
0x3b: {  	v8 =	vadd.s32 s12, v8  }
0x3c: {  	v27 =	vshll.u32 v8, $0x3  }
0x3d: {  	v8 =	vand.u32 $0x7F, v8;
	v9 =	vand.u32 $0xFFFFFC00, v27  }
0x3e: {  	v8 =	vor.u32 v8, v9  }
0x3f: {  	[tilespmem:s15+$0xD20] =	vst v8;
	v9 =	vor.u32 $0x80, v8  }
0x40: {  	v28 =	vor.u32 $0x100, v8;
	[tilespmem:s15+$0xDA0] =	vst v9  }
0x41: {  	v29 =	vor.u32 $0x180, v8;
	[tilespmem:s15+$0xE20] =	vst v28  }
0x42: {  	v30 =	vor.u32 $0x200, v8;
	[tilespmem:s15+$0xEA0] =	vst v29  }
0x43: {  	v31 =	vor.u32 $0x280, v8;
	[tilespmem:s15+$0xF20] =	vst v30  }
0x44: {  	v32 =	vor.u32 $0x300, v8;
	[tilespmem:s15+$0xFA0] =	vst v31  }
0x45: {  	v33 =	vor.u32 $0x380, v8;
	[tilespmem:s15+$0x1020] =	vst v32  }
0x46: {  	v34 =	vadd.s32 $0x7EF400, v8;
	[tilespmem:s15+$0x10A0] =	vst v33  }
0x47: {  	v35 =	vadd.s32 $0x7EF480, v8;
	[tilespmem:s15+$0x1120] =	vst v34  }
0x48: {  	v36 =	vadd.s32 $0x7EF500, v8;
	[tilespmem:s15+$0x11A0] =	vst v35  }
0x49: {  	v37 =	vadd.s32 $0x7EF580, v8;
	[tilespmem:s15+$0x1220] =	vst v36  }
0x4a: {  	v39 =	vadd.s32 s14, v3;
	v38 =	vadd.s32 $0x7EF600, v8;
	[tilespmem:s15+$0x12A0] =	vst v37  }
0x4b: {  	v40 =	vadd.s32 $0x7EF680, v8;
	[tilespmem:s15+$0x1320] =	vst v38  }
0x4c: {  	v41 =	vadd.s32 $0x7EF700, v8;
	[tilespmem:s15+$0x13A0] =	vst v40  }
0x4d: {  	v8 =	vadd.s32 $0x7EF780, v8;
	[tilespmem:s15+$0x1420] =	vst v41  }
0x4e: {  	[tilespmem:s15+$0x14A0] =	vst v8  }
0x4f: {  	v8 =	vld.idx.msk [tilespmem:v39+s3+$0x0], $0xffff;
	_ =	sdelay $0x4  }
0x50: {  	v8 =	vadd.s32 s12, v8  }
0x51: {  	v42 =	vshll.u32 v8, $0x3  }
0x52: {  	v8 =	vand.u32 $0x7F, v8;
	v9 =	vand.u32 $0xFFFFFC00, v42  }
0x53: {  	v8 =	vor.u32 v8, v9  }
0x54: {  	[tilespmem:s15+$0xD30] =	vst v8;
	v9 =	vor.u32 $0x80, v8  }
0x55: {  	v43 =	vor.u32 $0x100, v8;
	[tilespmem:s15+$0xDB0] =	vst v9  }
0x56: {  	v44 =	vor.u32 $0x180, v8;
	[tilespmem:s15+$0xE30] =	vst v43  }
0x57: {  	v45 =	vor.u32 $0x200, v8;
	[tilespmem:s15+$0xEB0] =	vst v44  }
0x58: {  	v46 =	vor.u32 $0x280, v8;
	[tilespmem:s15+$0xF30] =	vst v45  }
0x59: {  	v47 =	vor.u32 $0x300, v8;
	[tilespmem:s15+$0xFB0] =	vst v46  }
0x5a: {  	v48 =	vor.u32 $0x380, v8;
	[tilespmem:s15+$0x1030] =	vst v47  }
0x5b: {  	v49 =	vadd.s32 $0x7EF400, v8;
	[tilespmem:s15+$0x10B0] =	vst v48  }
0x5c: {  	v50 =	vadd.s32 $0x7EF480, v8;
	[tilespmem:s15+$0x1130] =	vst v49  }
0x5d: {  	v51 =	vadd.s32 $0x7EF500, v8;
	[tilespmem:s15+$0x11B0] =	vst v50  }
0x5e: {  	v52 =	vadd.s32 $0x7EF580, v8;
	[tilespmem:s15+$0x1230] =	vst v51  }
0x5f: {  	v54 =	vadd.s32 s14, v4;
	v53 =	vadd.s32 $0x7EF600, v8;
	[tilespmem:s15+$0x12B0] =	vst v52  }
0x60: {  	v55 =	vadd.s32 $0x7EF680, v8;
	[tilespmem:s15+$0x1330] =	vst v53  }
0x61: {  	v56 =	vadd.s32 $0x7EF700, v8;
	[tilespmem:s15+$0x13B0] =	vst v55  }
0x62: {  	v8 =	vadd.s32 $0x7EF780, v8;
	[tilespmem:s15+$0x1430] =	vst v56  }
0x63: {  	[tilespmem:s15+$0x14B0] =	vst v8  }
0x64: {  	v8 =	vld.idx.msk [tilespmem:v54+s3+$0x0], $0xffff;
	_ =	sdelay $0x4  }
0x65: {  	v8 =	vadd.s32 s12, v8  }
0x66: {  	v57 =	vshll.u32 v8, $0x3  }
0x67: {  	v8 =	vand.u32 $0x7F, v8;
	v9 =	vand.u32 $0xFFFFFC00, v57  }
0x68: {  	v8 =	vor.u32 v8, v9  }
0x69: {  	[tilespmem:s15+$0xD40] =	vst v8;
	v9 =	vor.u32 $0x80, v8  }
0x6a: {  	v58 =	vor.u32 $0x100, v8;
	[tilespmem:s15+$0xDC0] =	vst v9  }
0x6b: {  	v59 =	vor.u32 $0x180, v8;
	[tilespmem:s15+$0xE40] =	vst v58  }
0x6c: {  	v60 =	vor.u32 $0x200, v8;
	[tilespmem:s15+$0xEC0] =	vst v59  }
0x6d: {  	v61 =	vor.u32 $0x280, v8;
	[tilespmem:s15+$0xF40] =	vst v60  }
0x6e: {  	v62 =	vor.u32 $0x300, v8;
	[tilespmem:s15+$0xFC0] =	vst v61  }
0x6f: {  	v63 =	vor.u32 $0x380, v8;
	[tilespmem:s15+$0x1040] =	vst v62  }
0x70: {  	v12 =	vadd.s32 $0x7EF400, v8;
	[tilespmem:s15+$0x10C0] =	vst v63  }
0x71: {  	v13 =	vadd.s32 $0x7EF480, v8;
	[tilespmem:s15+$0x1140] =	vst v12  }
0x72: {  	v14 =	vadd.s32 $0x7EF500, v8;
	[tilespmem:s15+$0x11C0] =	vst v13  }
0x73: {  	v15 =	vadd.s32 $0x7EF580, v8;
	[tilespmem:s15+$0x1240] =	vst v14  }
0x74: {  	v17 =	vadd.s32 s14, v5;
	v16 =	vadd.s32 $0x7EF600, v8;
	[tilespmem:s15+$0x12C0] =	vst v15  }
0x75: {  	v18 =	vadd.s32 $0x7EF680, v8;
	[tilespmem:s15+$0x1340] =	vst v16  }
0x76: {  	v19 =	vadd.s32 $0x7EF700, v8;
	[tilespmem:s15+$0x13C0] =	vst v18  }
0x77: {  	v8 =	vadd.s32 $0x7EF780, v8;
	[tilespmem:s15+$0x1440] =	vst v19  }
0x78: {  	[tilespmem:s15+$0x14C0] =	vst v8  }
0x79: {  	v8 =	vld.idx.msk [tilespmem:v17+s3+$0x0], $0xffff;
	_ =	sdelay $0x4  }
0x7a: {  	v8 =	vadd.s32 s12, v8  }
0x7b: {  	v20 =	vshll.u32 v8, $0x3  }
0x7c: {  	v8 =	vand.u32 $0x7F, v8;
	v9 =	vand.u32 $0xFFFFFC00, v20  }
0x7d: {  	v8 =	vor.u32 v8, v9  }
0x7e: {  	[tilespmem:s15+$0xD50] =	vst v8;
	v9 =	vor.u32 $0x80, v8  }
0x7f: {  	v21 =	vor.u32 $0x100, v8;
	[tilespmem:s15+$0xDD0] =	vst v9  }
0x80: {  	v22 =	vor.u32 $0x180, v8;
	[tilespmem:s15+$0xE50] =	vst v21  }
0x81: {  	v23 =	vor.u32 $0x200, v8;
	[tilespmem:s15+$0xED0] =	vst v22  }
0x82: {  	v24 =	vor.u32 $0x280, v8;
	[tilespmem:s15+$0xF50] =	vst v23  }
0x83: {  	v25 =	vor.u32 $0x300, v8;
	[tilespmem:s15+$0xFD0] =	vst v24  }
0x84: {  	v26 =	vor.u32 $0x380, v8;
	[tilespmem:s15+$0x1050] =	vst v25  }
0x85: {  	v27 =	vadd.s32 $0x7EF400, v8;
	[tilespmem:s15+$0x10D0] =	vst v26  }
0x86: {  	v28 =	vadd.s32 $0x7EF480, v8;
	[tilespmem:s15+$0x1150] =	vst v27  }
0x87: {  	v29 =	vadd.s32 $0x7EF500, v8;
	[tilespmem:s15+$0x11D0] =	vst v28  }
0x88: {  	v30 =	vadd.s32 $0x7EF580, v8;
	[tilespmem:s15+$0x1250] =	vst v29  }
0x89: {  	v32 =	vadd.s32 s14, v6;
	v31 =	vadd.s32 $0x7EF600, v8;
	[tilespmem:s15+$0x12D0] =	vst v30  }
0x8a: {  	v33 =	vadd.s32 $0x7EF680, v8;
	[tilespmem:s15+$0x1350] =	vst v31  }
0x8b: {  	v34 =	vadd.s32 $0x7EF700, v8;
	[tilespmem:s15+$0x13D0] =	vst v33  }
0x8c: {  	v8 =	vadd.s32 $0x7EF780, v8;
	[tilespmem:s15+$0x1450] =	vst v34  }
0x8d: {  	[tilespmem:s15+$0x14D0] =	vst v8  }
0x8e: {  	v8 =	vld.idx.msk [tilespmem:v32+s3+$0x0], $0xffff;
	_ =	sdelay $0x4  }
0x8f: {  	v8 =	vadd.s32 s12, v8  }
0x90: {  	v35 =	vshll.u32 v8, $0x3  }
0x91: {  	v8 =	vand.u32 $0x7F, v8;
	v9 =	vand.u32 $0xFFFFFC00, v35  }
0x92: {  	v8 =	vor.u32 v8, v9  }
0x93: {  	v9 =	vor.u32 $0x80, v8;
	[tilespmem:s15+$0xD60] =	vst v8  }
0x94: {  	v36 =	vor.u32 $0x100, v8;
	[tilespmem:s15+$0xDE0] =	vst v9  }
0x95: {  	v37 =	vor.u32 $0x180, v8;
	[tilespmem:s15+$0xE60] =	vst v36  }
0x96: {  	v38 =	vor.u32 $0x200, v8;
	[tilespmem:s15+$0xEE0] =	vst v37  }
0x97: {  	v39 =	vor.u32 $0x280, v8;
	[tilespmem:s15+$0xF60] =	vst v38  }
0x98: {  	v40 =	vor.u32 $0x300, v8;
	[tilespmem:s15+$0xFE0] =	vst v39  }
0x99: {  	v41 =	vor.u32 $0x380, v8;
	[tilespmem:s15+$0x1060] =	vst v40  }
0x9a: {  	v42 =	vadd.s32 $0x7EF400, v8;
	[tilespmem:s15+$0x10E0] =	vst v41  }
0x9b: {  	v43 =	vadd.s32 $0x7EF480, v8;
	[tilespmem:s15+$0x1160] =	vst v42  }
0x9c: {  	v44 =	vadd.s32 $0x7EF500, v8;
	[tilespmem:s15+$0x11E0] =	vst v43  }
0x9d: {  	v45 =	vadd.s32 $0x7EF580, v8;
	[tilespmem:s15+$0x1260] =	vst v44  }
0x9e: {  	v48 =	vadd.s32 s14, v7;
	v46 =	vadd.s32 $0x7EF600, v8;
	[tilespmem:s15+$0x12E0] =	vst v45  }
0x9f: {  	v47 =	vadd.s32 $0x7EF680, v8;
	[tilespmem:s15+$0x1360] =	vst v46  }
0xa0: {  	v49 =	vadd.s32 $0x7EF700, v8;
	[tilespmem:s15+$0x13E0] =	vst v47  }
0xa1: {  	v8 =	vadd.s32 $0x7EF780, v8;
	[tilespmem:s15+$0x1460] =	vst v49  }
0xa2: {  	[tilespmem:s15+$0x14E0] =	vst v8  }
0xa3: {  	v8 =	vld.idx.msk [tilespmem:v48+s3+$0x0], $0xffff;
	_ =	sdelay $0x4  }
0xa4: {  	v8 =	vadd.s32 s12, v8  }
0xa5: {  	v50 =	vshll.u32 v8, $0x3  }
0xa6: {  	v8 =	vand.u32 $0x7F, v8;
	v9 =	vand.u32 $0xFFFFFC00, v50  }
0xa7: {  	v8 =	vor.u32 v8, v9  }
0xa8: {  	[tilespmem:s15+$0xD70] =	vst v8;
	v9 =	vor.u32 $0x80, v8  }
0xa9: {  	v51 =	vor.u32 $0x100, v8;
	[tilespmem:s15+$0xDF0] =	vst v9  }
0xaa: {  	v52 =	vor.u32 $0x180, v8;
	[tilespmem:s15+$0xE70] =	vst v51  }
0xab: {  	v53 =	vor.u32 $0x200, v8;
	[tilespmem:s15+$0xEF0] =	vst v52  }
0xac: {  	v54 =	vor.u32 $0x280, v8;
	[tilespmem:s15+$0xF70] =	vst v53  }
0xad: {  	v55 =	vor.u32 $0x300, v8;
	[tilespmem:s15+$0xFF0] =	vst v54  }
0xae: {  	v56 =	vor.u32 $0x380, v8;
	[tilespmem:s15+$0x1070] =	vst v55  }
0xaf: {  	v57 =	vadd.s32 $0x7EF400, v8;
	[tilespmem:s15+$0x10F0] =	vst v56  }
0xb0: {  	v58 =	vadd.s32 $0x7EF480, v8;
	[tilespmem:s15+$0x1170] =	vst v57  }
0xb1: {  	v59 =	vadd.s32 $0x7EF500, v8;
	[tilespmem:s15+$0x11F0] =	vst v58  }
0xb2: {  	v60 =	vadd.s32 $0x7EF580, v8;
	[tilespmem:s15+$0x1270] =	vst v59  }
0xb3: {  	v61 =	vadd.s32 $0x7EF600, v8;
	[tilespmem:s15+$0x12F0] =	vst v60  }
0xb4: {  	v62 =	vadd.s32 $0x7EF680, v8;
	[tilespmem:s15+$0x1370] =	vst v61  }
0xb5: {  	v63 =	vadd.s32 $0x7EF700, v8;
	[tilespmem:s15+$0x13F0] =	vst v62  }
0xb6: {  	v8 =	vadd.s32 $0x7EF780, v8;
	[tilespmem:s15+$0x1470] =	vst v63  }
0xb7: {  	s16 =	sadd.s32 $0xD00, s15;
	s17 =	sadd.s32 $0xDD00, s15;
	[tilespmem:s15+$0x14F0] =	vst v8  }
0xb8: {  	[tilespmem:s17], [sflag:$0x1] =	stream.indirect.gather [hbm4b:s2+s8], $0x1, s16, s8, $0xb8;
	[tilespmem:$0x1AD00] =	vst v63  }
0xb9: {  	s30 =	sadd.s32 $0xD80, s15;
	s31 =	sadd.s32 $0xDD80, s15  }
0xba: {  	[tilespmem:s31], [sflag:$0x1] =	stream.indirect.gather [hbm4b:s2+s8], $0x1, s30, s8, $0xb8;
	[tilespmem:$0x1AD00] =	vst v63  }
0xbb: {  	s18 =	sadd.s32 $0xDE00, s15;
	s17 =	sadd.s32 $0xE00, s15  }
0xbc: {  	[tilespmem:s18], [sflag:$0x1] =	stream.indirect.gather [hbm4b:s2+s8], $0x1, s17, s8, $0xb8;
	[tilespmem:$0x1AD00] =	vst v63  }
0xbd: {  	s19 =	sadd.s32 $0xE80, s15;
	s20 =	sadd.s32 $0xDE80, s15  }
0xbe: {  	[tilespmem:s20], [sflag:$0x1] =	stream.indirect.gather [hbm4b:s2+s8], $0x1, s19, s8, $0xb8;
	[tilespmem:$0x1AD00] =	vst v63  }
0xbf: {  	s21 =	sadd.s32 $0xF00, s15;
	s22 =	sadd.s32 $0xDF00, s15  }
0xc0: {  	[tilespmem:s22], [sflag:$0x1] =	stream.indirect.gather [hbm4b:s2+s8], $0x1, s21, s8, $0xb8;
	[tilespmem:$0x1AD00] =	vst v63  }
0xc1: {  	s23 =	sadd.s32 $0xF80, s15;
	s24 =	sadd.s32 $0xDF80, s15  }
0xc2: {  	[tilespmem:s24], [sflag:$0x1] =	stream.indirect.gather [hbm4b:s2+s8], $0x1, s23, s8, $0xb8;
	[tilespmem:$0x1AD00] =	vst v63  }
0xc3: {  	s25 =	sadd.s32 $0x1000, s15;
	s26 =	sadd.s32 $0xE000, s15  }
0xc4: {  	[tilespmem:s26], [sflag:$0x1] =	stream.indirect.gather [hbm4b:s2+s8], $0x1, s25, s8, $0xb8;
	[tilespmem:$0x1AD00] =	vst v63  }
0xc5: {  	s28 =	sadd.s32 $0x1080, s15;
	s29 =	sadd.s32 $0xE080, s15  }
0xc6: {  	[tilespmem:s29], [sflag:$0x1] =	stream.indirect.gather [hbm4b:s2+s8], $0x1, s28, s8, $0xb8;
	[tilespmem:$0x1AD00] =	vst v63  }
0xc7: {  	s30 =	sadd.s32 $0x1100, s15;
	s31 =	sadd.s32 $0xE100, s15  }
0xc8: {  	[tilespmem:s31], [sflag:$0x1] =	stream.indirect.gather [hbm4b:s2+s8], $0x1, s30, s8, $0xb8;
	[tilespmem:$0x1AD00] =	vst v63  }
0xc9: {  	s18 =	sadd.s32 $0x1180, s15;
	s19 =	sadd.s32 $0xE180, s15  }
0xca: {  	[tilespmem:s19], [sflag:$0x1] =	stream.indirect.gather [hbm4b:s2+s8], $0x1, s18, s8, $0xb8;
	[tilespmem:$0x1AD00] =	vst v63  }
0xcb: {  	s20 =	sadd.s32 $0x1200, s15;
	s21 =	sadd.s32 $0xE200, s15  }
0xcc: {  	[tilespmem:s21], [sflag:$0x1] =	stream.indirect.gather [hbm4b:s2+s8], $0x1, s20, s8, $0xb8;
	[tilespmem:$0x1AD00] =	vst v63  }
0xcd: {  	s22 =	sadd.s32 $0x1280, s15;
	s23 =	sadd.s32 $0xE280, s15  }
0xce: {  	[tilespmem:s23], [sflag:$0x1] =	stream.indirect.gather [hbm4b:s2+s8], $0x1, s22, s8, $0xb8;
	[tilespmem:$0x1AD00] =	vst v63  }
0xcf: {  	s24 =	sadd.s32 $0x1300, s15;
	s25 =	sadd.s32 $0xE300, s15  }
0xd0: {  	[tilespmem:s25], [sflag:$0x1] =	stream.indirect.gather [hbm4b:s2+s8], $0x1, s24, s8, $0xb8;
	[tilespmem:$0x1AD00] =	vst v63  }
0xd1: {  	p0 =	sne.s32 s13, $0x32000;
	s26 =	sadd.s32 $0x1380, s15;
	s28 =	sadd.s32 $0xE380, s15  }
0xd2: {  	[tilespmem:s28], [sflag:$0x1] =	stream.indirect.gather [hbm4b:s2+s8], $0x1, s26, s8, $0xb8;
	[tilespmem:$0x1AD00] =	vst v63  }
.Ltmp0:
0xd3: {  	s13 =	sadd.s32 $0x2000, s13;
	(pc) =	sbr.rel @p0 .LBB2_2-.Ltmp0, $4  }
0xd4: {  	s14 =	sadd.s32 $0x1, s14;
	s29 =	sadd.s32 $0x1400, s15;
	s30 =	sadd.s32 $0xE400, s15  }
0xd5: {  	[tilespmem:s30], [sflag:$0x1] =	stream.indirect.gather [hbm4b:s2+s8], $0x1, s29, s8, $0xb8;
	[tilespmem:$0x1AD00] =	vst v63  }
0xd6: {  	s12 =	sadd.s32 $0x9C40, s12;
	s31 =	sadd.s32 $0x1480, s15;
	s15 =	sadd.s32 $0xE480, s15  }
0xd7: {  	[tilespmem:s15], [sflag:$0x1] =	stream.indirect.gather [hbm4b:s2+s8], $0x1, s31, s8, $0xb8;
	[tilespmem:$0x1AD00] =	vst v63  }
0xd8: {  	_ =	swait.ge [sflag:s9], $0xD000  }
0xd9: {  	[sflag:s9] =	ssyncset.done $0x0  }
0xda: {  	s13 =	sadd.s32 $0x0, s6;
	s12 =	simm.s32 $0xDD00;
	[sflag:s9] =	ssyncadd.s32 $0xFFFF3000  }
0xdb: {  	[hbm4b:s13+s3] =	stream.linear.scatter [tilespmem:s12], [sflag:$0x2], $0x400, $0x38;
	[tilespmem:$0x1AD00] =	vst v63  }
0xdc: {  	s14 =	simm.s32 $0xE100;
	s12 =	simm.s32 $0x2000;
	s13 =	sadd.s32 $0x1000, s13  }
.LBB2_4:
0xdd: {  	[hbm4b:s13+s3] =	stream.linear.scatter [tilespmem:s14], [sflag:$0x2], $0x400, $0x38;
	[tilespmem:$0x1AD00] =	vst v63  }
0xde: {  	s13 =	smov.u32 s12;
	p0 =	sne.s32 s12, $0x32000  }
.Ltmp1:
0xdf: {  	s12 =	sadd.s32 $0x2000, s12;
	(pc) =	sbr.rel @p0 .LBB2_4-.Ltmp1, $4  }
0xe0: {  	s14 =	sshra.s32 s13, $0x2  }
0xe1: {  	s13 =	sadd.s32 s13, s6;
	s15 =	sadd.s32 $0xDD00, s14  }
0xe2: {  	[hbm4b:s13+s3] =	stream.linear.scatter [tilespmem:s15], [sflag:$0x2], $0x400, $0x38;
	[tilespmem:$0x1AD00] =	vst v63  }
0xe3: {  	s14 =	sadd.s32 $0xE100, s14;
	s13 =	sadd.s32 $0x1000, s13  }
0xe4: {  	s11 =	sadd.s32 $0x1, s11  }
0xe5: {  	p0 =	sne.s32 s11, s5  }
.Ltmp2:
0xe6: {  	_ = 	snop;
	(pc) =	sbr.rel @p0 .LBB2_1-.Ltmp2, $4  }
0xe7: {  	[hbm4b:s13+s3] =	stream.linear.scatter [tilespmem:s14], [sflag:$0x2], $0x400, $0x38;
	[tilespmem:$0x1AD00] =	vst v63  }
0xe8: {  	_ =	swait.ge [sflag:s10], $0xD000  }
0xe9: {  	[sflag:s10] =	ssyncset.done $0x0  }
0xea: {  	[sflag:s10] =	ssyncadd.s32 $0xFFFF3000  }
0xeb: {  	_ =	sfence.sel $0x180000  }
0xec: {  	[bflag:$0x0] =	sbarrier.arrive $0xFFFF  }
0xed: {  	p0 =	sne.s32 s0, $0x0;
	_ =	strace $0x90000047  }
0xee: {  	s0 =	sadd.s32 @!p0 $0x100000, s1;
	[bflag:$0x2] =	sbarrier.arrive $0xFFFF  }
0xef: {  	[sflag:s0] =	ssyncadd.tile.s32 @!p0 $0x1;
	_ =	shalt  }
.Lfunc_end2:
_tile_overlayer_lowered:
.L_overlay_start_2:
0xf0: {  	(tag) =	ssettag $0x2  }
0xf1: {  	s0 =	rddreg [dreg:$0x0];
	s2 =	stileid.u32  }
0xf2: {  	s1 =	rddreg [dreg:$0x1];
	p0 =	sne.s32 s2, $0x0  }
0xf3: {  	s3 =	rddreg [dreg:$0x2];
	[bflag:$0x3] =	sbarrier.arrive $0xFFFF;
	s2 =	simm.s32 @!p0 $0x1C03  }
0xf4: {  	[timem:s3], [sflag:s2] =	dma.local @!p0 [hbm:s0], s1  }
0xf5: {  	s0 =	simm.s32 @!p0 $0x3  }
0xf6: {  	_ =	swait.ge @!p0 [sflag:s0], s1  }
0xf7: {  	s1 =	ssub.s32 @!p0 $0x0, s1;
	[sflag:s0] =	ssyncset.done @!p0 $0x0  }
0xf8: {  	[sflag:s0] =	ssyncadd.s32 @!p0 s1  }
0xf9: {  	[bflag:$0x3] =	sbarrier.arrive $0xFFFF  }
0xfa: {  	_ =	shalt  }

</sc_bundles>
